<compile_context>
chip_gen: v7x
topology: tpu7x:2x2x1
jax: 0.10.2.dev20260603
libtpu: 0.0.44.dev20260713+nightly
codegen_flags: <defaults>
</compile_context>

<pallas_src>
import functools

import jax
import jax.numpy as jnp
from jax import lax
from jax.experimental import pallas as pl
from jax.experimental.pallas import tpu as pltpu
from jax.experimental.pallas import tpu_sc as plsc

_LANES = 16


def _sc_gather(user_ids, item_ids, user_table, item_table):
    B = user_ids.shape[0]
    D = user_table.shape[1]
    info = plsc.get_sparse_core_info()
    NC, NS = info.num_cores, info.num_subcores
    NW = NC * NS
    b_per_w = B // NW
    mesh = plsc.VectorSubcoreMesh(core_axis_name="c", subcore_axis_name="s")

    @functools.partial(
        pl.kernel,
        mesh=mesh,
        out_type=(
            jax.ShapeDtypeStruct((B, D), jnp.float32),
            jax.ShapeDtypeStruct((B, D), jnp.float32),
        ),
        scratch_types=[
            pltpu.VMEM((b_per_w,), jnp.int32),
            pltpu.VMEM((b_per_w,), jnp.int32),
            pltpu.VMEM((b_per_w // 2, D), jnp.float32),
            pltpu.VMEM((b_per_w // 2, D), jnp.float32),
            pltpu.SemaphoreType.DMA,
            pltpu.SemaphoreType.DMA,
            pltpu.SemaphoreType.DMA,
            pltpu.SemaphoreType.DMA,
            pltpu.SemaphoreType.DMA,
            pltpu.SemaphoreType.DMA,
            pltpu.SemaphoreType.DMA,
            pltpu.SemaphoreType.DMA,
        ],
    )
    def gk(uids_hbm, iids_hbm, utab_hbm, itab_hbm, u_out, i_out,
           uidx_v, iidx_v, urows_v, irows_v, usem, isem,
           usem1, isem1, usem2, isem2, usem3, isem3):
        usems = [usem, usem1, usem2, usem3]
        isems = [isem, isem1, isem2, isem3]
        wid = lax.axis_index("s") * NC + lax.axis_index("c")
        base = wid * b_per_w
        half = b_per_w // 2
        n_groups = half // _LANES
        pltpu.sync_copy(uids_hbm.at[pl.ds(base, b_per_w)], uidx_v)
        pltpu.sync_copy(iids_hbm.at[pl.ds(base, b_per_w)], iidx_v)

        for h in range(2):
            hoff = h * half

            def body(g, carry):
                goff = hoff + g * _LANES
                dbase = g * _LANES
                uvec = uidx_v[pl.ds(goff, _LANES)]
                ivec = iidx_v[pl.ds(goff, _LANES)]
                for l in range(_LANES):
                    ur = uvec[l]
                    ir = ivec[l]
                    pltpu.async_copy(utab_hbm.at[pl.ds(ur, 1), :],
                                     urows_v.at[pl.ds(dbase + l, 1), :],
                                     usems[l % 4])
                    pltpu.async_copy(itab_hbm.at[pl.ds(ir, 1), :],
                                     irows_v.at[pl.ds(dbase + l, 1), :],
                                     isems[l % 4])
                return carry

            lax.fori_loop(0, n_groups, body, 0)
            qrt = half // 4
            for k in range(4):
                pltpu.make_async_copy(utab_hbm.at[pl.ds(0, qrt), :],
                                      urows_v.at[pl.ds(0, qrt), :],
                                      usems[k]).wait()
                pltpu.make_async_copy(itab_hbm.at[pl.ds(0, qrt), :],
                                      irows_v.at[pl.ds(0, qrt), :],
                                      isems[k]).wait()
            pltpu.sync_copy(urows_v, u_out.at[pl.ds(base + hoff, half)])
            pltpu.sync_copy(irows_v, i_out.at[pl.ds(base + hoff, half)])

    return gk(user_ids, item_ids, user_table, item_table)


def _mlp_body(u_ref, i_ref, w1a_ref, w1b_ref, b1_ref, w2_ref, b2_ref,
              w3_ref, b3_ref, w4_ref, b4_ref, o_ref):
    h = jnp.dot(u_ref[...], w1a_ref[...], preferred_element_type=jnp.float32)
    h = h + jnp.dot(i_ref[...], w1b_ref[...], preferred_element_type=jnp.float32)
    h = jnp.maximum(h + b1_ref[...], 0.0)
    h = jnp.dot(h, w2_ref[...], preferred_element_type=jnp.float32) + b2_ref[...]
    h = jnp.maximum(h, 0.0)
    h = jnp.dot(h, w3_ref[...], preferred_element_type=jnp.float32) + b3_ref[...]
    h = jnp.maximum(h, 0.0)
    o_ref[...] = jnp.sum(h * w4_ref[...], axis=1) + b4_ref[0, 0]


def kernel(user_ids, item_ids, user_table, item_table,
           W1, b1, W2, b2, W3, b3, W4, b4):
    B = user_ids.shape[0]
    D = user_table.shape[1]
    u, it = _sc_gather(user_ids, item_ids, user_table, item_table)
    out = pl.pallas_call(
        _mlp_body,
        out_shape=jax.ShapeDtypeStruct((B,), jnp.float32),
    )(u, it, W1[:D], W1[D:], b1.reshape(1, -1), W2, b2.reshape(1, -1),
      W3, b3.reshape(1, -1), W4.reshape(1, -1), b4.reshape(1, 1))
    return out

# --- scband reference (transcript-rebuilt; emitter-appended) ---
"""Pipeline reference for scband-ncfmodel-3685081940287 (READ-ONLY COPY).

The authoritative reference and input builder live on the scoring server;
editing this copy changes nothing except your own understanding.
"""

import jax, jax.numpy as jnp
import numpy as np

B = 16384
V_USERS = 1000000
V_ITEMS = 1000000
D = 32
HIDDEN = [128, 64, 32]


def setup_inputs(seed: int = 0) -> dict:
    key = jax.random.key(seed)
    ks = jax.random.split(key, 16)
    user_ids = jax.random.randint(ks[0], (B,), 0, V_USERS)
    item_ids = jax.random.randint(ks[1], (B,), 0, V_ITEMS)
    user_table = jax.random.normal(ks[2], (V_USERS, D), jnp.float32) * 0.1
    item_table = jax.random.normal(ks[3], (V_ITEMS, D), jnp.float32) * 0.1
    dims = [2 * D] + HIDDEN + [1]
    params = {}
    for li in range(len(dims) - 1):
        fan_in, fan_out = dims[li], dims[li + 1]
        limit = float(np.sqrt(6.0 / (fan_in + fan_out)))
        params[f"W{li+1}"] = jax.random.uniform(ks[4 + li], (fan_in, fan_out), jnp.float32, -limit, limit)
        params[f"b{li+1}"] = jnp.zeros((fan_out,), jnp.float32)
    out = {
        "user_ids": user_ids,
        "item_ids": item_ids,
        "user_table": user_table,
        "item_table": item_table,
    }
    out.update(params)
    return out


def reference(user_ids, item_ids, user_table, item_table, W1, b1, W2, b2, W3, b3, W4, b4):
    # Embedding lookups (gather)
    u = jnp.take(user_table, user_ids, axis=0)
    it = jnp.take(item_table, item_ids, axis=0)
    h = jnp.concatenate([u, it], axis=1)
    # MLP (dropout is identity in eval mode)
    h = jax.nn.relu(h @ W1 + b1)
    h = jax.nn.relu(h @ W2 + b2)
    h = jax.nn.relu(h @ W3 + b3)
    out = h @ W4 + b4
    return out.squeeze(-1)

if __name__ == "__main__":
    import jax
    _d = setup_inputs()
    print(jax.jit(kernel)(*tuple(_d.values())))

</pallas_src>

<mosaic_0001>
#map = affine_map<(d0, d1) -> (0)>
#map1 = affine_map<(d0, d1) -> (0, 0)>
module attributes {stable_mosaic.version = 14 : i64} {
  func.func @gk(%arg0: i32, %arg1: i32, %arg2: memref<16384xi32, #tpu.memory_space<hbm>>, %arg3: memref<16384xi32, #tpu.memory_space<hbm>>, %arg4: memref<1000000x32xf32, #tpu.memory_space<hbm>>, %arg5: memref<1000000x32xf32, #tpu.memory_space<hbm>>, %arg6: memref<16384x32xf32, #tpu.memory_space<hbm>>, %arg7: memref<16384x32xf32, #tpu.memory_space<hbm>>, %arg8: memref<512xi32, #tpu.memory_space<vmem>>, %arg9: memref<512xi32, #tpu.memory_space<vmem>>, %arg10: memref<256x32xf32, #tpu.memory_space<vmem>>, %arg11: memref<256x32xf32, #tpu.memory_space<vmem>>, %arg12: memref<!tpu.dma_semaphore, #tpu.memory_space<semaphore_mem>>, %arg13: memref<!tpu.dma_semaphore, #tpu.memory_space<semaphore_mem>>, %arg14: memref<!tpu.dma_semaphore, #tpu.memory_space<semaphore_mem>>, %arg15: memref<!tpu.dma_semaphore, #tpu.memory_space<semaphore_mem>>, %arg16: memref<!tpu.dma_semaphore, #tpu.memory_space<semaphore_mem>>, %arg17: memref<!tpu.dma_semaphore, #tpu.memory_space<semaphore_mem>>, %arg18: memref<!tpu.dma_semaphore, #tpu.memory_space<semaphore_mem>>, %arg19: memref<!tpu.dma_semaphore, #tpu.memory_space<semaphore_mem>>) attributes {dimension_semantics = [#tpu.dimension_semantics<core_parallel>, #tpu.dimension_semantics<subcore_parallel>], iteration_bounds = array<i64: 2, 16>, scalar_prefetch = 0 : i64, scratch_operands = 12 : i64, tpu.core_type = #tpu.core_type<sc_vector_subcore>, window_params = [{transform_indices = #map}, {transform_indices = #map}, {transform_indices = #map1}, {transform_indices = #map1}, {transform_indices = #map1}, {transform_indices = #map1}]} {
    %mul3A = arith.constant 2 : i32
    %mul3A_0 = arith.muli %arg1, %mul3A : i32
    %add3A = arith.addi %mul3A_0, %arg0 : i32
    %mul3A_1 = arith.constant 512 : i32
    %mul3A_2 = arith.muli %add3A, %mul3A_1 : i32
    "tpu.region"() ({
      %run_scoped3A = tpu.sem_alloc : memref<!tpu.dma_semaphore, #tpu.memory_space<semaphore_mem>>
      %dma_start3A = tpu.memref_slice %arg2[%mul3A_2] : memref<16384xi32, #tpu.memory_space<hbm>> -> memref<512xi32, #tpu.memory_space<hbm>>
      %dma_start3A_213 = tpu.memref_slice %arg2[%mul3A_2] : memref<16384xi32, #tpu.memory_space<hbm>> -> memref<512xi32, #tpu.memory_space<hbm>>
      tpu.enqueue_dma source(%dma_start3A_213 : memref<512xi32, #tpu.memory_space<hbm>>) target(%arg8 : memref<512xi32, #tpu.memory_space<vmem>>) target_semaphore(%run_scoped3A : memref<!tpu.dma_semaphore, #tpu.memory_space<semaphore_mem>>)
      %dma_wait3A_214 = tpu.memref_slice %arg2[%mul3A_2] : memref<16384xi32, #tpu.memory_space<hbm>> -> memref<512xi32, #tpu.memory_space<hbm>>
      %dma_wait3A_215 = tpu.memref_slice %arg2[%mul3A_2] : memref<16384xi32, #tpu.memory_space<hbm>> -> memref<512xi32, #tpu.memory_space<hbm>>
      tpu.wait_dma2 semaphore(%run_scoped3A : memref<!tpu.dma_semaphore, #tpu.memory_space<semaphore_mem>>) src(%dma_wait3A_215 : memref<512xi32, #tpu.memory_space<hbm>>) dst(%arg8 : memref<512xi32, #tpu.memory_space<vmem>>)
      tpu.yield
    }) : () -> ()
    "tpu.region"() ({
      %run_scoped3A = tpu.sem_alloc : memref<!tpu.dma_semaphore, #tpu.memory_space<semaphore_mem>>
      %dma_start3A = tpu.memref_slice %arg3[%mul3A_2] : memref<16384xi32, #tpu.memory_space<hbm>> -> memref<512xi32, #tpu.memory_space<hbm>>
      %dma_start3A_213 = tpu.memref_slice %arg3[%mul3A_2] : memref<16384xi32, #tpu.memory_space<hbm>> -> memref<512xi32, #tpu.memory_space<hbm>>
      tpu.enqueue_dma source(%dma_start3A_213 : memref<512xi32, #tpu.memory_space<hbm>>) target(%arg9 : memref<512xi32, #tpu.memory_space<vmem>>) target_semaphore(%run_scoped3A : memref<!tpu.dma_semaphore, #tpu.memory_space<semaphore_mem>>)
      %dma_wait3A_214 = tpu.memref_slice %arg3[%mul3A_2] : memref<16384xi32, #tpu.memory_space<hbm>> -> memref<512xi32, #tpu.memory_space<hbm>>
      %dma_wait3A_215 = tpu.memref_slice %arg3[%mul3A_2] : memref<16384xi32, #tpu.memory_space<hbm>> -> memref<512xi32, #tpu.memory_space<hbm>>
      tpu.wait_dma2 semaphore(%run_scoped3A : memref<!tpu.dma_semaphore, #tpu.memory_space<semaphore_mem>>) src(%dma_wait3A_215 : memref<512xi32, #tpu.memory_space<hbm>>) dst(%arg9 : memref<512xi32, #tpu.memory_space<vmem>>)
      tpu.yield
    }) : () -> ()
    %scan3A = arith.constant 0 : i32
    %scan3A_3 = arith.constant 0 : i32
    %scan3A_4 = arith.constant 16 : i32
    %scan3A_5 = arith.addi %scan3A_3, %scan3A_4 : i32
    %scan3A_6 = arith.constant 1 : i32
    scf.for %scan3A_213 = %scan3A_3 to %scan3A_5 step %scan3A_6  : i32 {
      %mul3A_214 = arith.constant 16 : i32
      %mul3A_215 = arith.muli %scan3A_213, %mul3A_214 : i32
      %add3A_216 = arith.constant 0 : i32
      %add3A_217 = arith.addi %add3A_216, %mul3A_215 : i32
      %mul3A_218 = arith.constant 16 : i32
      %mul3A_219 = arith.muli %scan3A_213, %mul3A_218 : i32
      %get3A = arith.index_cast %add3A_217 : i32 to index
      %get3A_220 = tpu.vector_load %arg8[%get3A] {strides = array<i32>} : memref<512xi32, #tpu.memory_space<vmem>>, vector<16xi32>,
      %get3A_221 = vector.shape_cast %get3A_220 : vector<16xi32> to vector<16xi32>
      %get3A_222 = arith.index_cast %add3A_217 : i32 to index
      %get3A_223 = tpu.vector_load %arg9[%get3A_222] {strides = array<i32>} : memref<512xi32, #tpu.memory_space<vmem>>, vector<16xi32>,
      %get3A_224 = vector.shape_cast %get3A_223 : vector<16xi32> to vector<16xi32>
      %slice3A = vector.extract_strided_slice %get3A_221 {offsets = [0], sizes = [1], strides = [1]} : vector<16xi32> to vector<1xi32>
      %squeeze3A = vector.extract %slice3A[0] : i32 from vector<1xi32>
      %slice3A_225 = vector.extract_strided_slice %get3A_224 {offsets = [0], sizes = [1], strides = [1]} : vector<16xi32> to vector<1xi32>
      %squeeze3A_226 = vector.extract %slice3A_225[0] : i32 from vector<1xi32>
      %add3A_227 = arith.constant 0 : i32
      %add3A_228 = arith.addi %mul3A_219, %add3A_227 : i32
      %dma_start3A = arith.constant 0 : i32
      %dma_start3A_229 = tpu.memref_slice %arg10[%add3A_228, %dma_start3A] : memref<256x32xf32, #tpu.memory_space<vmem>> -> memref<1x32xf32, #tpu.memory_space<vmem>>
      %dma_start3A_230 = arith.constant 0 : i32
      %dma_start3A_231 = tpu.memref_slice %arg4[%squeeze3A, %dma_start3A_230] : memref<1000000x32xf32, #tpu.memory_space<hbm>> -> memref<1x32xf32, #tpu.memory_space<hbm>>
      %dma_start3A_232 = arith.constant 0 : i32
      %dma_start3A_233 = tpu.memref_slice %arg10[%add3A_228, %dma_start3A_232] : memref<256x32xf32, #tpu.memory_space<vmem>> -> memref<1x32xf32, #tpu.memory_space<vmem>>
      %dma_start3A_234 = arith.constant 0 : i32
      %dma_start3A_235 = tpu.memref_slice %arg4[%squeeze3A, %dma_start3A_234] : memref<1000000x32xf32, #tpu.memory_space<hbm>> -> memref<1x32xf32, #tpu.memory_space<hbm>>
      tpu.enqueue_dma source(%dma_start3A_235 : memref<1x32xf32, #tpu.memory_space<hbm>>) target(%dma_start3A_233 : memref<1x32xf32, #tpu.memory_space<vmem>>) target_semaphore(%arg12 : memref<!tpu.dma_semaphore, #tpu.memory_space<semaphore_mem>>)
      %add3A_236 = arith.constant 0 : i32
      %add3A_237 = arith.addi %mul3A_219, %add3A_236 : i32
      %dma_start3A_238 = arith.constant 0 : i32
      %dma_start3A_239 = tpu.memref_slice %arg11[%add3A_237, %dma_start3A_238] : memref<256x32xf32, #tpu.memory_space<vmem>> -> memref<1x32xf32, #tpu.memory_space<vmem>>
      %dma_start3A_240 = arith.constant 0 : i32
      %dma_start3A_241 = tpu.memref_slice %arg5[%squeeze3A_226, %dma_start3A_240] : memref<1000000x32xf32, #tpu.memory_space<hbm>> -> memref<1x32xf32, #tpu.memory_space<hbm>>
      %dma_start3A_242 = arith.constant 0 : i32
      %dma_start3A_243 = tpu.memref_slice %arg11[%add3A_237, %dma_start3A_242] : memref<256x32xf32, #tpu.memory_space<vmem>> -> memref<1x32xf32, #tpu.memory_space<vmem>>
      %dma_start3A_244 = arith.constant 0 : i32
      %dma_start3A_245 = tpu.memref_slice %arg5[%squeeze3A_226, %dma_start3A_244] : memref<1000000x32xf32, #tpu.memory_space<hbm>> -> memref<1x32xf32, #tpu.memory_space<hbm>>
      tpu.enqueue_dma source(%dma_start3A_245 : memref<1x32xf32, #tpu.memory_space<hbm>>) target(%dma_start3A_243 : memref<1x32xf32, #tpu.memory_space<vmem>>) target_semaphore(%arg13 : memref<!tpu.dma_semaphore, #tpu.memory_space<semaphore_mem>>)
      %slice3A_246 = vector.extract_strided_slice %get3A_221 {offsets = [1], sizes = [1], strides = [1]} : vector<16xi32> to vector<1xi32>
      %squeeze3A_247 = vector.extract %slice3A_246[0] : i32 from vector<1xi32>
      %slice3A_248 = vector.extract_strided_slice %get3A_224 {offsets = [1], sizes = [1], strides = [1]} : vector<16xi32> to vector<1xi32>
      %squeeze3A_249 = vector.extract %slice3A_248[0] : i32 from vector<1xi32>
      %add3A_250 = arith.constant 1 : i32
      %add3A_251 = arith.addi %mul3A_219, %add3A_250 : i32
      %dma_start3A_252 = arith.constant 0 : i32
      %dma_start3A_253 = tpu.memref_slice %arg10[%add3A_251, %dma_start3A_252] : memref<256x32xf32, #tpu.memory_space<vmem>> -> memref<1x32xf32, #tpu.memory_space<vmem>>
      %dma_start3A_254 = arith.constant 0 : i32
      %dma_start3A_255 = tpu.memref_slice %arg4[%squeeze3A_247, %dma_start3A_254] : memref<1000000x32xf32, #tpu.memory_space<hbm>> -> memref<1x32xf32, #tpu.memory_space<hbm>>
      %dma_start3A_256 = arith.constant 0 : i32
      %dma_start3A_257 = tpu.memref_slice %arg10[%add3A_251, %dma_start3A_256] : memref<256x32xf32, #tpu.memory_space<vmem>> -> memref<1x32xf32, #tpu.memory_space<vmem>>
      %dma_start3A_258 = arith.constant 0 : i32
      %dma_start3A_259 = tpu.memref_slice %arg4[%squeeze3A_247, %dma_start3A_258] : memref<1000000x32xf32, #tpu.memory_space<hbm>> -> memref<1x32xf32, #tpu.memory_space<hbm>>
      tpu.enqueue_dma source(%dma_start3A_259 : memref<1x32xf32, #tpu.memory_space<hbm>>) target(%dma_start3A_257 : memref<1x32xf32, #tpu.memory_space<vmem>>) target_semaphore(%arg14 : memref<!tpu.dma_semaphore, #tpu.memory_space<semaphore_mem>>)
      %add3A_260 = arith.constant 1 : i32
      %add3A_261 = arith.addi %mul3A_219, %add3A_260 : i32
      %dma_start3A_262 = arith.constant 0 : i32
      %dma_start3A_263 = tpu.memref_slice %arg11[%add3A_261, %dma_start3A_262] : memref<256x32xf32, #tpu.memory_space<vmem>> -> memref<1x32xf32, #tpu.memory_space<vmem>>
      %dma_start3A_264 = arith.constant 0 : i32
      %dma_start3A_265 = tpu.memref_slice %arg5[%squeeze3A_249, %dma_start3A_264] : memref<1000000x32xf32, #tpu.memory_space<hbm>> -> memref<1x32xf32, #tpu.memory_space<hbm>>
      %dma_start3A_266 = arith.constant 0 : i32
      %dma_start3A_267 = tpu.memref_slice %arg11[%add3A_261, %dma_start3A_266] : memref<256x32xf32, #tpu.memory_space<vmem>> -> memref<1x32xf32, #tpu.memory_space<vmem>>
      %dma_start3A_268 = arith.constant 0 : i32
      %dma_start3A_269 = tpu.memref_slice %arg5[%squeeze3A_249, %dma_start3A_268] : memref<1000000x32xf32, #tpu.memory_space<hbm>> -> memref<1x32xf32, #tpu.memory_space<hbm>>
      tpu.enqueue_dma source(%dma_start3A_269 : memref<1x32xf32, #tpu.memory_space<hbm>>) target(%dma_start3A_267 : memref<1x32xf32, #tpu.memory_space<vmem>>) target_semaphore(%arg15 : memref<!tpu.dma_semaphore, #tpu.memory_space<semaphore_mem>>)
      %slice3A_270 = vector.extract_strided_slice %get3A_221 {offsets = [2], sizes = [1], strides = [1]} : vector<16xi32> to vector<1xi32>
      %squeeze3A_271 = vector.extract %slice3A_270[0] : i32 from vector<1xi32>
      %slice3A_272 = vector.extract_strided_slice %get3A_224 {offsets = [2], sizes = [1], strides = [1]} : vector<16xi32> to vector<1xi32>
      %squeeze3A_273 = vector.extract %slice3A_272[0] : i32 from vector<1xi32>
      %add3A_274 = arith.constant 2 : i32
      %add3A_275 = arith.addi %mul3A_219, %add3A_274 : i32
      %dma_start3A_276 = arith.constant 0 : i32
      %dma_start3A_277 = tpu.memref_slice %arg10[%add3A_275, %dma_start3A_276] : memref<256x32xf32, #tpu.memory_space<vmem>> -> memref<1x32xf32, #tpu.memory_space<vmem>>
      %dma_start3A_278 = arith.constant 0 : i32
      %dma_start3A_279 = tpu.memref_slice %arg4[%squeeze3A_271, %dma_start3A_278] : memref<1000000x32xf32, #tpu.memory_space<hbm>> -> memref<1x32xf32, #tpu.memory_space<hbm>>
      %dma_start3A_280 = arith.constant 0 : i32
      %dma_start3A_281 = tpu.memref_slice %arg10[%add3A_275, %dma_start3A_280] : memref<256x32xf32, #tpu.memory_space<vmem>> -> memref<1x32xf32, #tpu.memory_space<vmem>>
      %dma_start3A_282 = arith.constant 0 : i32
      %dma_start3A_283 = tpu.memref_slice %arg4[%squeeze3A_271, %dma_start3A_282] : memref<1000000x32xf32, #tpu.memory_space<hbm>> -> memref<1x32xf32, #tpu.memory_space<hbm>>
      tpu.enqueue_dma source(%dma_start3A_283 : memref<1x32xf32, #tpu.memory_space<hbm>>) target(%dma_start3A_281 : memref<1x32xf32, #tpu.memory_space<vmem>>) target_semaphore(%arg16 : memref<!tpu.dma_semaphore, #tpu.memory_space<semaphore_mem>>)
      %add3A_284 = arith.constant 2 : i32
      %add3A_285 = arith.addi %mul3A_219, %add3A_284 : i32
      %dma_start3A_286 = arith.constant 0 : i32
      %dma_start3A_287 = tpu.memref_slice %arg11[%add3A_285, %dma_start3A_286] : memref<256x32xf32, #tpu.memory_space<vmem>> -> memref<1x32xf32, #tpu.memory_space<vmem>>
      %dma_start3A_288 = arith.constant 0 : i32
      %dma_start3A_289 = tpu.memref_slice %arg5[%squeeze3A_273, %dma_start3A_288] : memref<1000000x32xf32, #tpu.memory_space<hbm>> -> memref<1x32xf32, #tpu.memory_space<hbm>>
      %dma_start3A_290 = arith.constant 0 : i32
      %dma_start3A_291 = tpu.memref_slice %arg11[%add3A_285, %dma_start3A_290] : memref<256x32xf32, #tpu.memory_space<vmem>> -> memref<1x32xf32, #tpu.memory_space<vmem>>
      %dma_start3A_292 = arith.constant 0 : i32
      %dma_start3A_293 = tpu.memref_slice %arg5[%squeeze3A_273, %dma_start3A_292] : memref<1000000x32xf32, #tpu.memory_space<hbm>> -> memref<1x32xf32, #tpu.memory_space<hbm>>
      tpu.enqueue_dma source(%dma_start3A_293 : memref<1x32xf32, #tpu.memory_space<hbm>>) target(%dma_start3A_291 : memref<1x32xf32, #tpu.memory_space<vmem>>) target_semaphore(%arg17 : memref<!tpu.dma_semaphore, #tpu.memory_space<semaphore_mem>>)
      %slice3A_294 = vector.extract_strided_slice %get3A_221 {offsets = [3], sizes = [1], strides = [1]} : vector<16xi32> to vector<1xi32>
      %squeeze3A_295 = vector.extract %slice3A_294[0] : i32 from vector<1xi32>
      %slice3A_296 = vector.extract_strided_slice %get3A_224 {offsets = [3], sizes = [1], strides = [1]} : vector<16xi32> to vector<1xi32>
      %squeeze3A_297 = vector.extract %slice3A_296[0] : i32 from vector<1xi32>
      %add3A_298 = arith.constant 3 : i32
      %add3A_299 = arith.addi %mul3A_219, %add3A_298 : i32
      %dma_start3A_300 = arith.constant 0 : i32
      %dma_start3A_301 = tpu.memref_slice %arg10[%add3A_299, %dma_start3A_300] : memref<256x32xf32, #tpu.memory_space<vmem>> -> memref<1x32xf32, #tpu.memory_space<vmem>>
      %dma_start3A_302 = arith.constant 0 : i32
      %dma_start3A_303 = tpu.memref_slice %arg4[%squeeze3A_295, %dma_start3A_302] : memref<1000000x32xf32, #tpu.memory_space<hbm>> -> memref<1x32xf32, #tpu.memory_space<hbm>>
      %dma_start3A_304 = arith.constant 0 : i32
      %dma_start3A_305 = tpu.memref_slice %arg10[%add3A_299, %dma_start3A_304] : memref<256x32xf32, #tpu.memory_space<vmem>> -> memref<1x32xf32, #tpu.memory_space<vmem>>
      %dma_start3A_306 = arith.constant 0 : i32
      %dma_start3A_307 = tpu.memref_slice %arg4[%squeeze3A_295, %dma_start3A_306] : memref<1000000x32xf32, #tpu.memory_space<hbm>> -> memref<1x32xf32, #tpu.memory_space<hbm>>
      tpu.enqueue_dma source(%dma_start3A_307 : memref<1x32xf32, #tpu.memory_space<hbm>>) target(%dma_start3A_305 : memref<1x32xf32, #tpu.memory_space<vmem>>) target_semaphore(%arg18 : memref<!tpu.dma_semaphore, #tpu.memory_space<semaphore_mem>>)
      %add3A_308 = arith.constant 3 : i32
      %add3A_309 = arith.addi %mul3A_219, %add3A_308 : i32
      %dma_start3A_310 = arith.constant 0 : i32
      %dma_start3A_311 = tpu.memref_slice %arg11[%add3A_309, %dma_start3A_310] : memref<256x32xf32, #tpu.memory_space<vmem>> -> memref<1x32xf32, #tpu.memory_space<vmem>>
      %dma_start3A_312 = arith.constant 0 : i32
      %dma_start3A_313 = tpu.memref_slice %arg5[%squeeze3A_297, %dma_start3A_312] : memref<1000000x32xf32, #tpu.memory_space<hbm>> -> memref<1x32xf32, #tpu.memory_space<hbm>>
      %dma_start3A_314 = arith.constant 0 : i32
      %dma_start3A_315 = tpu.memref_slice %arg11[%add3A_309, %dma_start3A_314] : memref<256x32xf32, #tpu.memory_space<vmem>> -> memref<1x32xf32, #tpu.memory_space<vmem>>
      %dma_start3A_316 = arith.constant 0 : i32
      %dma_start3A_317 = tpu.memref_slice %arg5[%squeeze3A_297, %dma_start3A_316] : memref<1000000x32xf32, #tpu.memory_space<hbm>> -> memref<1x32xf32, #tpu.memory_space<hbm>>
      tpu.enqueue_dma source(%dma_start3A_317 : memref<1x32xf32, #tpu.memory_space<hbm>>) target(%dma_start3A_315 : memref<1x32xf32, #tpu.memory_space<vmem>>) target_semaphore(%arg19 : memref<!tpu.dma_semaphore, #tpu.memory_space<semaphore_mem>>)
      %slice3A_318 = vector.extract_strided_slice %get3A_221 {offsets = [4], sizes = [1], strides = [1]} : vector<16xi32> to vector<1xi32>
      %squeeze3A_319 = vector.extract %slice3A_318[0] : i32 from vector<1xi32>
      %slice3A_320 = vector.extract_strided_slice %get3A_224 {offsets = [4], sizes = [1], strides = [1]} : vector<16xi32> to vector<1xi32>
      %squeeze3A_321 = vector.extract %slice3A_320[0] : i32 from vector<1xi32>
      %add3A_322 = arith.constant 4 : i32
      %add3A_323 = arith.addi %mul3A_219, %add3A_322 : i32
      %dma_start3A_324 = arith.constant 0 : i32
      %dma_start3A_325 = tpu.memref_slice %arg10[%add3A_323, %dma_start3A_324] : memref<256x32xf32, #tpu.memory_space<vmem>> -> memref<1x32xf32, #tpu.memory_space<vmem>>
      %dma_start3A_326 = arith.constant 0 : i32
      %dma_start3A_327 = tpu.memref_slice %arg4[%squeeze3A_319, %dma_start3A_326] : memref<1000000x32xf32, #tpu.memory_space<hbm>> -> memref<1x32xf32, #tpu.memory_space<hbm>>
      %dma_start3A_328 = arith.constant 0 : i32
      %dma_start3A_329 = tpu.memref_slice %arg10[%add3A_323, %dma_start3A_328] : memref<256x32xf32, #tpu.memory_space<vmem>> -> memref<1x32xf32, #tpu.memory_space<vmem>>
      %dma_start3A_330 = arith.constant 0 : i32
      %dma_start3A_331 = tpu.memref_slice %arg4[%squeeze3A_319, %dma_start3A_330] : memref<1000000x32xf32, #tpu.memory_space<hbm>> -> memref<1x32xf32, #tpu.memory_space<hbm>>
      tpu.enqueue_dma source(%dma_start3A_331 : memref<1x32xf32, #tpu.memory_space<hbm>>) target(%dma_start3A_329 : memref<1x32xf32, #tpu.memory_space<vmem>>) target_semaphore(%arg12 : memref<!tpu.dma_semaphore, #tpu.memory_space<semaphore_mem>>)
      %add3A_332 = arith.constant 4 : i32
      %add3A_333 = arith.addi %mul3A_219, %add3A_332 : i32
      %dma_start3A_334 = arith.constant 0 : i32
      %dma_start3A_335 = tpu.memref_slice %arg11[%add3A_333, %dma_start3A_334] : memref<256x32xf32, #tpu.memory_space<vmem>> -> memref<1x32xf32, #tpu.memory_space<vmem>>
      %dma_start3A_336 = arith.constant 0 : i32
      %dma_start3A_337 = tpu.memref_slice %arg5[%squeeze3A_321, %dma_start3A_336] : memref<1000000x32xf32, #tpu.memory_space<hbm>> -> memref<1x32xf32, #tpu.memory_space<hbm>>
      %dma_start3A_338 = arith.constant 0 : i32
      %dma_start3A_339 = tpu.memref_slice %arg11[%add3A_333, %dma_start3A_338] : memref<256x32xf32, #tpu.memory_space<vmem>> -> memref<1x32xf32, #tpu.memory_space<vmem>>
      %dma_start3A_340 = arith.constant 0 : i32
      %dma_start3A_341 = tpu.memref_slice %arg5[%squeeze3A_321, %dma_start3A_340] : memref<1000000x32xf32, #tpu.memory_space<hbm>> -> memref<1x32xf32, #tpu.memory_space<hbm>>
      tpu.enqueue_dma source(%dma_start3A_341 : memref<1x32xf32, #tpu.memory_space<hbm>>) target(%dma_start3A_339 : memref<1x32xf32, #tpu.memory_space<vmem>>) target_semaphore(%arg13 : memref<!tpu.dma_semaphore, #tpu.memory_space<semaphore_mem>>)
      %slice3A_342 = vector.extract_strided_slice %get3A_221 {offsets = [5], sizes = [1], strides = [1]} : vector<16xi32> to vector<1xi32>
      %squeeze3A_343 = vector.extract %slice3A_342[0] : i32 from vector<1xi32>
      %slice3A_344 = vector.extract_strided_slice %get3A_224 {offsets = [5], sizes = [1], strides = [1]} : vector<16xi32> to vector<1xi32>
      %squeeze3A_345 = vector.extract %slice3A_344[0] : i32 from vector<1xi32>
      %add3A_346 = arith.constant 5 : i32
      %add3A_347 = arith.addi %mul3A_219, %add3A_346 : i32
      %dma_start3A_348 = arith.constant 0 : i32
      %dma_start3A_349 = tpu.memref_slice %arg10[%add3A_347, %dma_start3A_348] : memref<256x32xf32, #tpu.memory_space<vmem>> -> memref<1x32xf32, #tpu.memory_space<vmem>>
      %dma_start3A_350 = arith.constant 0 : i32
      %dma_start3A_351 = tpu.memref_slice %arg4[%squeeze3A_343, %dma_start3A_350] : memref<1000000x32xf32, #tpu.memory_space<hbm>> -> memref<1x32xf32, #tpu.memory_space<hbm>>
      %dma_start3A_352 = arith.constant 0 : i32
      %dma_start3A_353 = tpu.memref_slice %arg10[%add3A_347, %dma_start3A_352] : memref<256x32xf32, #tpu.memory_space<vmem>> -> memref<1x32xf32, #tpu.memory_space<vmem>>
      %dma_start3A_354 = arith.constant 0 : i32
      %dma_start3A_355 = tpu.memref_slice %arg4[%squeeze3A_343, %dma_start3A_354] : memref<1000000x32xf32, #tpu.memory_space<hbm>> -> memref<1x32xf32, #tpu.memory_space<hbm>>
      tpu.enqueue_dma source(%dma_start3A_355 : memref<1x32xf32, #tpu.memory_space<hbm>>) target(%dma_start3A_353 : memref<1x32xf32, #tpu.memory_space<vmem>>) target_semaphore(%arg14 : memref<!tpu.dma_semaphore, #tpu.memory_space<semaphore_mem>>)
      %add3A_356 = arith.constant 5 : i32
      %add3A_357 = arith.addi %mul3A_219, %add3A_356 : i32
      %dma_start3A_358 = arith.constant 0 : i32
      %dma_start3A_359 = tpu.memref_slice %arg11[%add3A_357, %dma_start3A_358] : memref<256x32xf32, #tpu.memory_space<vmem>> -> memref<1x32xf32, #tpu.memory_space<vmem>>
      %dma_start3A_360 = arith.constant 0 : i32
      %dma_start3A_361 = tpu.memref_slice %arg5[%squeeze3A_345, %dma_start3A_360] : memref<1000000x32xf32, #tpu.memory_space<hbm>> -> memref<1x32xf32, #tpu.memory_space<hbm>>
      %dma_start3A_362 = arith.constant 0 : i32
      %dma_start3A_363 = tpu.memref_slice %arg11[%add3A_357, %dma_start3A_362] : memref<256x32xf32, #tpu.memory_space<vmem>> -> memref<1x32xf32, #tpu.memory_space<vmem>>
      %dma_start3A_364 = arith.constant 0 : i32
      %dma_start3A_365 = tpu.memref_slice %arg5[%squeeze3A_345, %dma_start3A_364] : memref<1000000x32xf32, #tpu.memory_space<hbm>> -> memref<1x32xf32, #tpu.memory_space<hbm>>
      tpu.enqueue_dma source(%dma_start3A_365 : memref<1x32xf32, #tpu.memory_space<hbm>>) target(%dma_start3A_363 : memref<1x32xf32, #tpu.memory_space<vmem>>) target_semaphore(%arg15 : memref<!tpu.dma_semaphore, #tpu.memory_space<semaphore_mem>>)
      %slice3A_366 = vector.extract_strided_slice %get3A_221 {offsets = [6], sizes = [1], strides = [1]} : vector<16xi32> to vector<1xi32>
      %squeeze3A_367 = vector.extract %slice3A_366[0] : i32 from vector<1xi32>
      %slice3A_368 = vector.extract_strided_slice %get3A_224 {offsets = [6], sizes = [1], strides = [1]} : vector<16xi32> to vector<1xi32>
      %squeeze3A_369 = vector.extract %slice3A_368[0] : i32 from vector<1xi32>
      %add3A_370 = arith.constant 6 : i32
      %add3A_371 = arith.addi %mul3A_219, %add3A_370 : i32
      %dma_start3A_372 = arith.constant 0 : i32
      %dma_start3A_373 = tpu.memref_slice %arg10[%add3A_371, %dma_start3A_372] : memref<256x32xf32, #tpu.memory_space<vmem>> -> memref<1x32xf32, #tpu.memory_space<vmem>>
      %dma_start3A_374 = arith.constant 0 : i32
      %dma_start3A_375 = tpu.memref_slice %arg4[%squeeze3A_367, %dma_start3A_374] : memref<1000000x32xf32, #tpu.memory_space<hbm>> -> memref<1x32xf32, #tpu.memory_space<hbm>>
      %dma_start3A_376 = arith.constant 0 : i32
      %dma_start3A_377 = tpu.memref_slice %arg10[%add3A_371, %dma_start3A_376] : memref<256x32xf32, #tpu.memory_space<vmem>> -> memref<1x32xf32, #tpu.memory_space<vmem>>
      %dma_start3A_378 = arith.constant 0 : i32
      %dma_start3A_379 = tpu.memref_slice %arg4[%squeeze3A_367, %dma_start3A_378] : memref<1000000x32xf32, #tpu.memory_space<hbm>> -> memref<1x32xf32, #tpu.memory_space<hbm>>
      tpu.enqueue_dma source(%dma_start3A_379 : memref<1x32xf32, #tpu.memory_space<hbm>>) target(%dma_start3A_377 : memref<1x32xf32, #tpu.memory_space<vmem>>) target_semaphore(%arg16 : memref<!tpu.dma_semaphore, #tpu.memory_space<semaphore_mem>>)
      %add3A_380 = arith.constant 6 : i32
      %add3A_381 = arith.addi %mul3A_219, %add3A_380 : i32
      %dma_start3A_382 = arith.constant 0 : i32
      %dma_start3A_383 = tpu.memref_slice %arg11[%add3A_381, %dma_start3A_382] : memref<256x32xf32, #tpu.memory_space<vmem>> -> memref<1x32xf32, #tpu.memory_space<vmem>>
      %dma_start3A_384 = arith.constant 0 : i32
      %dma_start3A_385 = tpu.memref_slice %arg5[%squeeze3A_369, %dma_start3A_384] : memref<1000000x32xf32, #tpu.memory_space<hbm>> -> memref<1x32xf32, #tpu.memory_space<hbm>>
      %dma_start3A_386 = arith.constant 0 : i32
      %dma_start3A_387 = tpu.memref_slice %arg11[%add3A_381, %dma_start3A_386] : memref<256x32xf32, #tpu.memory_space<vmem>> -> memref<1x32xf32, #tpu.memory_space<vmem>>
      %dma_start3A_388 = arith.constant 0 : i32
      %dma_start3A_389 = tpu.memref_slice %arg5[%squeeze3A_369, %dma_start3A_388] : memref<1000000x32xf32, #tpu.memory_space<hbm>> -> memref<1x32xf32, #tpu.memory_space<hbm>>
      tpu.enqueue_dma source(%dma_start3A_389 : memref<1x32xf32, #tpu.memory_space<hbm>>) target(%dma_start3A_387 : memref<1x32xf32, #tpu.memory_space<vmem>>) target_semaphore(%arg17 : memref<!tpu.dma_semaphore, #tpu.memory_space<semaphore_mem>>)
      %slice3A_390 = vector.extract_strided_slice %get3A_221 {offsets = [7], sizes = [1], strides = [1]} : vector<16xi32> to vector<1xi32>
      %squeeze3A_391 = vector.extract %slice3A_390[0] : i32 from vector<1xi32>
      %slice3A_392 = vector.extract_strided_slice %get3A_224 {offsets = [7], sizes = [1], strides = [1]} : vector<16xi32> to vector<1xi32>
      %squeeze3A_393 = vector.extract %slice3A_392[0] : i32 from vector<1xi32>
      %add3A_394 = arith.constant 7 : i32
      %add3A_395 = arith.addi %mul3A_219, %add3A_394 : i32
      %dma_start3A_396 = arith.constant 0 : i32
      %dma_start3A_397 = tpu.memref_slice %arg10[%add3A_395, %dma_start3A_396] : memref<256x32xf32, #tpu.memory_space<vmem>> -> memref<1x32xf32, #tpu.memory_space<vmem>>
      %dma_start3A_398 = arith.constant 0 : i32
      %dma_start3A_399 = tpu.memref_slice %arg4[%squeeze3A_391, %dma_start3A_398] : memref<1000000x32xf32, #tpu.memory_space<hbm>> -> memref<1x32xf32, #tpu.memory_space<hbm>>
      %dma_start3A_400 = arith.constant 0 : i32
      %dma_start3A_401 = tpu.memref_slice %arg10[%add3A_395, %dma_start3A_400] : memref<256x32xf32, #tpu.memory_space<vmem>> -> memref<1x32xf32, #tpu.memory_space<vmem>>
      %dma_start3A_402 = arith.constant 0 : i32
      %dma_start3A_403 = tpu.memref_slice %arg4[%squeeze3A_391, %dma_start3A_402] : memref<1000000x32xf32, #tpu.memory_space<hbm>> -> memref<1x32xf32, #tpu.memory_space<hbm>>
      tpu.enqueue_dma source(%dma_start3A_403 : memref<1x32xf32, #tpu.memory_space<hbm>>) target(%dma_start3A_401 : memref<1x32xf32, #tpu.memory_space<vmem>>) target_semaphore(%arg18 : memref<!tpu.dma_semaphore, #tpu.memory_space<semaphore_mem>>)
      %add3A_404 = arith.constant 7 : i32
      %add3A_405 = arith.addi %mul3A_219, %add3A_404 : i32
      %dma_start3A_406 = arith.constant 0 : i32
      %dma_start3A_407 = tpu.memref_slice %arg11[%add3A_405, %dma_start3A_406] : memref<256x32xf32, #tpu.memory_space<vmem>> -> memref<1x32xf32, #tpu.memory_space<vmem>>
      %dma_start3A_408 = arith.constant 0 : i32
      %dma_start3A_409 = tpu.memref_slice %arg5[%squeeze3A_393, %dma_start3A_408] : memref<1000000x32xf32, #tpu.memory_space<hbm>> -> memref<1x32xf32, #tpu.memory_space<hbm>>
      %dma_start3A_410 = arith.constant 0 : i32
      %dma_start3A_411 = tpu.memref_slice %arg11[%add3A_405, %dma_start3A_410] : memref<256x32xf32, #tpu.memory_space<vmem>> -> memref<1x32xf32, #tpu.memory_space<vmem>>
      %dma_start3A_412 = arith.constant 0 : i32
      %dma_start3A_413 = tpu.memref_slice %arg5[%squeeze3A_393, %dma_start3A_412] : memref<1000000x32xf32, #tpu.memory_space<hbm>> -> memref<1x32xf32, #tpu.memory_space<hbm>>
      tpu.enqueue_dma source(%dma_start3A_413 : memref<1x32xf32, #tpu.memory_space<hbm>>) target(%dma_start3A_411 : memref<1x32xf32, #tpu.memory_space<vmem>>) target_semaphore(%arg19 : memref<!tpu.dma_semaphore, #tpu.memory_space<semaphore_mem>>)
      %slice3A_414 = vector.extract_strided_slice %get3A_221 {offsets = [8], sizes = [1], strides = [1]} : vector<16xi32> to vector<1xi32>
      %squeeze3A_415 = vector.extract %slice3A_414[0] : i32 from vector<1xi32>
      %slice3A_416 = vector.extract_strided_slice %get3A_224 {offsets = [8], sizes = [1], strides = [1]} : vector<16xi32> to vector<1xi32>
      %squeeze3A_417 = vector.extract %slice3A_416[0] : i32 from vector<1xi32>
      %add3A_418 = arith.constant 8 : i32
      %add3A_419 = arith.addi %mul3A_219, %add3A_418 : i32
      %dma_start3A_420 = arith.constant 0 : i32
      %dma_start3A_421 = tpu.memref_slice %arg10[%add3A_419, %dma_start3A_420] : memref<256x32xf32, #tpu.memory_space<vmem>> -> memref<1x32xf32, #tpu.memory_space<vmem>>
      %dma_start3A_422 = arith.constant 0 : i32
      %dma_start3A_423 = tpu.memref_slice %arg4[%squeeze3A_415, %dma_start3A_422] : memref<1000000x32xf32, #tpu.memory_space<hbm>> -> memref<1x32xf32, #tpu.memory_space<hbm>>
      %dma_start3A_424 = arith.constant 0 : i32
      %dma_start3A_425 = tpu.memref_slice %arg10[%add3A_419, %dma_start3A_424] : memref<256x32xf32, #tpu.memory_space<vmem>> -> memref<1x32xf32, #tpu.memory_space<vmem>>
      %dma_start3A_426 = arith.constant 0 : i32
      %dma_start3A_427 = tpu.memref_slice %arg4[%squeeze3A_415, %dma_start3A_426] : memref<1000000x32xf32, #tpu.memory_space<hbm>> -> memref<1x32xf32, #tpu.memory_space<hbm>>
      tpu.enqueue_dma source(%dma_start3A_427 : memref<1x32xf32, #tpu.memory_space<hbm>>) target(%dma_start3A_425 : memref<1x32xf32, #tpu.memory_space<vmem>>) target_semaphore(%arg12 : memref<!tpu.dma_semaphore, #tpu.memory_space<semaphore_mem>>)
      %add3A_428 = arith.constant 8 : i32
      %add3A_429 = arith.addi %mul3A_219, %add3A_428 : i32
      %dma_start3A_430 = arith.constant 0 : i32
      %dma_start3A_431 = tpu.memref_slice %arg11[%add3A_429, %dma_start3A_430] : memref<256x32xf32, #tpu.memory_space<vmem>> -> memref<1x32xf32, #tpu.memory_space<vmem>>
      %dma_start3A_432 = arith.constant 0 : i32
      %dma_start3A_433 = tpu.memref_slice %arg5[%squeeze3A_417, %dma_start3A_432] : memref<1000000x32xf32, #tpu.memory_space<hbm>> -> memref<1x32xf32, #tpu.memory_space<hbm>>
      %dma_start3A_434 = arith.constant 0 : i32
      %dma_start3A_435 = tpu.memref_slice %arg11[%add3A_429, %dma_start3A_434] : memref<256x32xf32, #tpu.memory_space<vmem>> -> memref<1x32xf32, #tpu.memory_space<vmem>>
      %dma_start3A_436 = arith.constant 0 : i32
      %dma_start3A_437 = tpu.memref_slice %arg5[%squeeze3A_417, %dma_start3A_436] : memref<1000000x32xf32, #tpu.memory_space<hbm>> -> memref<1x32xf32, #tpu.memory_space<hbm>>
      tpu.enqueue_dma source(%dma_start3A_437 : memref<1x32xf32, #tpu.memory_space<hbm>>) target(%dma_start3A_435 : memref<1x32xf32, #tpu.memory_space<vmem>>) target_semaphore(%arg13 : memref<!tpu.dma_semaphore, #tpu.memory_space<semaphore_mem>>)
      %slice3A_438 = vector.extract_strided_slice %get3A_221 {offsets = [9], sizes = [1], strides = [1]} : vector<16xi32> to vector<1xi32>
      %squeeze3A_439 = vector.extract %slice3A_438[0] : i32 from vector<1xi32>
      %slice3A_440 = vector.extract_strided_slice %get3A_224 {offsets = [9], sizes = [1], strides = [1]} : vector<16xi32> to vector<1xi32>
      %squeeze3A_441 = vector.extract %slice3A_440[0] : i32 from vector<1xi32>
      %add3A_442 = arith.constant 9 : i32
      %add3A_443 = arith.addi %mul3A_219, %add3A_442 : i32
      %dma_start3A_444 = arith.constant 0 : i32
      %dma_start3A_445 = tpu.memref_slice %arg10[%add3A_443, %dma_start3A_444] : memref<256x32xf32, #tpu.memory_space<vmem>> -> memref<1x32xf32, #tpu.memory_space<vmem>>
      %dma_start3A_446 = arith.constant 0 : i32
      %dma_start3A_447 = tpu.memref_slice %arg4[%squeeze3A_439, %dma_start3A_446] : memref<1000000x32xf32, #tpu.memory_space<hbm>> -> memref<1x32xf32, #tpu.memory_space<hbm>>
      %dma_start3A_448 = arith.constant 0 : i32
      %dma_start3A_449 = tpu.memref_slice %arg10[%add3A_443, %dma_start3A_448] : memref<256x32xf32, #tpu.memory_space<vmem>> -> memref<1x32xf32, #tpu.memory_space<vmem>>
      %dma_start3A_450 = arith.constant 0 : i32
      %dma_start3A_451 = tpu.memref_slice %arg4[%squeeze3A_439, %dma_start3A_450] : memref<1000000x32xf32, #tpu.memory_space<hbm>> -> memref<1x32xf32, #tpu.memory_space<hbm>>
      tpu.enqueue_dma source(%dma_start3A_451 : memref<1x32xf32, #tpu.memory_space<hbm>>) target(%dma_start3A_449 : memref<1x32xf32, #tpu.memory_space<vmem>>) target_semaphore(%arg14 : memref<!tpu.dma_semaphore, #tpu.memory_space<semaphore_mem>>)
      %add3A_452 = arith.constant 9 : i32
      %add3A_453 = arith.addi %mul3A_219, %add3A_452 : i32
      %dma_start3A_454 = arith.constant 0 : i32
      %dma_start3A_455 = tpu.memref_slice %arg11[%add3A_453, %dma_start3A_454] : memref<256x32xf32, #tpu.memory_space<vmem>> -> memref<1x32xf32, #tpu.memory_space<vmem>>
      %dma_start3A_456 = arith.constant 0 : i32
      %dma_start3A_457 = tpu.memref_slice %arg5[%squeeze3A_441, %dma_start3A_456] : memref<1000000x32xf32, #tpu.memory_space<hbm>> -> memref<1x32xf32, #tpu.memory_space<hbm>>
      %dma_start3A_458 = arith.constant 0 : i32
      %dma_start3A_459 = tpu.memref_slice %arg11[%add3A_453, %dma_start3A_458] : memref<256x32xf32, #tpu.memory_space<vmem>> -> memref<1x32xf32, #tpu.memory_space<vmem>>
      %dma_start3A_460 = arith.constant 0 : i32
      %dma_start3A_461 = tpu.memref_slice %arg5[%squeeze3A_441, %dma_start3A_460] : memref<1000000x32xf32, #tpu.memory_space<hbm>> -> memref<1x32xf32, #tpu.memory_space<hbm>>
      tpu.enqueue_dma source(%dma_start3A_461 : memref<1x32xf32, #tpu.memory_space<hbm>>) target(%dma_start3A_459 : memref<1x32xf32, #tpu.memory_space<vmem>>) target_semaphore(%arg15 : memref<!tpu.dma_semaphore, #tpu.memory_space<semaphore_mem>>)
      %slice3A_462 = vector.extract_strided_slice %get3A_221 {offsets = [10], sizes = [1], strides = [1]} : vector<16xi32> to vector<1xi32>
      %squeeze3A_463 = vector.extract %slice3A_462[0] : i32 from vector<1xi32>
      %slice3A_464 = vector.extract_strided_slice %get3A_224 {offsets = [10], sizes = [1], strides = [1]} : vector<16xi32> to vector<1xi32>
      %squeeze3A_465 = vector.extract %slice3A_464[0] : i32 from vector<1xi32>
      %add3A_466 = arith.constant 10 : i32
      %add3A_467 = arith.addi %mul3A_219, %add3A_466 : i32
      %dma_start3A_468 = arith.constant 0 : i32
      %dma_start3A_469 = tpu.memref_slice %arg10[%add3A_467, %dma_start3A_468] : memref<256x32xf32, #tpu.memory_space<vmem>> -> memref<1x32xf32, #tpu.memory_space<vmem>>
      %dma_start3A_470 = arith.constant 0 : i32
      %dma_start3A_471 = tpu.memref_slice %arg4[%squeeze3A_463, %dma_start3A_470] : memref<1000000x32xf32, #tpu.memory_space<hbm>> -> memref<1x32xf32, #tpu.memory_space<hbm>>
      %dma_start3A_472 = arith.constant 0 : i32
      %dma_start3A_473 = tpu.memref_slice %arg10[%add3A_467, %dma_start3A_472] : memref<256x32xf32, #tpu.memory_space<vmem>> -> memref<1x32xf32, #tpu.memory_space<vmem>>
      %dma_start3A_474 = arith.constant 0 : i32
      %dma_start3A_475 = tpu.memref_slice %arg4[%squeeze3A_463, %dma_start3A_474] : memref<1000000x32xf32, #tpu.memory_space<hbm>> -> memref<1x32xf32, #tpu.memory_space<hbm>>
      tpu.enqueue_dma source(%dma_start3A_475 : memref<1x32xf32, #tpu.memory_space<hbm>>) target(%dma_start3A_473 : memref<1x32xf32, #tpu.memory_space<vmem>>) target_semaphore(%arg16 : memref<!tpu.dma_semaphore, #tpu.memory_space<semaphore_mem>>)
      %add3A_476 = arith.constant 10 : i32
      %add3A_477 = arith.addi %mul3A_219, %add3A_476 : i32
      %dma_start3A_478 = arith.constant 0 : i32
      %dma_start3A_479 = tpu.memref_slice %arg11[%add3A_477, %dma_start3A_478] : memref<256x32xf32, #tpu.memory_space<vmem>> -> memref<1x32xf32, #tpu.memory_space<vmem>>
      %dma_start3A_480 = arith.constant 0 : i32
      %dma_start3A_481 = tpu.memref_slice %arg5[%squeeze3A_465, %dma_start3A_480] : memref<1000000x32xf32, #tpu.memory_space<hbm>> -> memref<1x32xf32, #tpu.memory_space<hbm>>
      %dma_start3A_482 = arith.constant 0 : i32
      %dma_start3A_483 = tpu.memref_slice %arg11[%add3A_477, %dma_start3A_482] : memref<256x32xf32, #tpu.memory_space<vmem>> -> memref<1x32xf32, #tpu.memory_space<vmem>>
      %dma_start3A_484 = arith.constant 0 : i32
      %dma_start3A_485 = tpu.memref_slice %arg5[%squeeze3A_465, %dma_start3A_484] : memref<1000000x32xf32, #tpu.memory_space<hbm>> -> memref<1x32xf32, #tpu.memory_space<hbm>>
      tpu.enqueue_dma source(%dma_start3A_485 : memref<1x32xf32, #tpu.memory_space<hbm>>) target(%dma_start3A_483 : memref<1x32xf32, #tpu.memory_space<vmem>>) target_semaphore(%arg17 : memref<!tpu.dma_semaphore, #tpu.memory_space<semaphore_mem>>)
      %slice3A_486 = vector.extract_strided_slice %get3A_221 {offsets = [11], sizes = [1], strides = [1]} : vector<16xi32> to vector<1xi32>
      %squeeze3A_487 = vector.extract %slice3A_486[0] : i32 from vector<1xi32>
      %slice3A_488 = vector.extract_strided_slice %get3A_224 {offsets = [11], sizes = [1], strides = [1]} : vector<16xi32> to vector<1xi32>
      %squeeze3A_489 = vector.extract %slice3A_488[0] : i32 from vector<1xi32>
      %add3A_490 = arith.constant 11 : i32
      %add3A_491 = arith.addi %mul3A_219, %add3A_490 : i32
      %dma_start3A_492 = arith.constant 0 : i32
      %dma_start3A_493 = tpu.memref_slice %arg10[%add3A_491, %dma_start3A_492] : memref<256x32xf32, #tpu.memory_space<vmem>> -> memref<1x32xf32, #tpu.memory_space<vmem>>
      %dma_start3A_494 = arith.constant 0 : i32
      %dma_start3A_495 = tpu.memref_slice %arg4[%squeeze3A_487, %dma_start3A_494] : memref<1000000x32xf32, #tpu.memory_space<hbm>> -> memref<1x32xf32, #tpu.memory_space<hbm>>
      %dma_start3A_496 = arith.constant 0 : i32
      %dma_start3A_497 = tpu.memref_slice %arg10[%add3A_491, %dma_start3A_496] : memref<256x32xf32, #tpu.memory_space<vmem>> -> memref<1x32xf32, #tpu.memory_space<vmem>>
      %dma_start3A_498 = arith.constant 0 : i32
      %dma_start3A_499 = tpu.memref_slice %arg4[%squeeze3A_487, %dma_start3A_498] : memref<1000000x32xf32, #tpu.memory_space<hbm>> -> memref<1x32xf32, #tpu.memory_space<hbm>>
      tpu.enqueue_dma source(%dma_start3A_499 : memref<1x32xf32, #tpu.memory_space<hbm>>) target(%dma_start3A_497 : memref<1x32xf32, #tpu.memory_space<vmem>>) target_semaphore(%arg18 : memref<!tpu.dma_semaphore, #tpu.memory_space<semaphore_mem>>)
      %add3A_500 = arith.constant 11 : i32
      %add3A_501 = arith.addi %mul3A_219, %add3A_500 : i32
      %dma_start3A_502 = arith.constant 0 : i32
      %dma_start3A_503 = tpu.memref_slice %arg11[%add3A_501, %dma_start3A_502] : memref<256x32xf32, #tpu.memory_space<vmem>> -> memref<1x32xf32, #tpu.memory_space<vmem>>
      %dma_start3A_504 = arith.constant 0 : i32
      %dma_start3A_505 = tpu.memref_slice %arg5[%squeeze3A_489, %dma_start3A_504] : memref<1000000x32xf32, #tpu.memory_space<hbm>> -> memref<1x32xf32, #tpu.memory_space<hbm>>
      %dma_start3A_506 = arith.constant 0 : i32
      %dma_start3A_507 = tpu.memref_slice %arg11[%add3A_501, %dma_start3A_506] : memref<256x32xf32, #tpu.memory_space<vmem>> -> memref<1x32xf32, #tpu.memory_space<vmem>>
      %dma_start3A_508 = arith.constant 0 : i32
      %dma_start3A_509 = tpu.memref_slice %arg5[%squeeze3A_489, %dma_start3A_508] : memref<1000000x32xf32, #tpu.memory_space<hbm>> -> memref<1x32xf32, #tpu.memory_space<hbm>>
      tpu.enqueue_dma source(%dma_start3A_509 : memref<1x32xf32, #tpu.memory_space<hbm>>) target(%dma_start3A_507 : memref<1x32xf32, #tpu.memory_space<vmem>>) target_semaphore(%arg19 : memref<!tpu.dma_semaphore, #tpu.memory_space<semaphore_mem>>)
      %slice3A_510 = vector.extract_strided_slice %get3A_221 {offsets = [12], sizes = [1], strides = [1]} : vector<16xi32> to vector<1xi32>
      %squeeze3A_511 = vector.extract %slice3A_510[0] : i32 from vector<1xi32>
      %slice3A_512 = vector.extract_strided_slice %get3A_224 {offsets = [12], sizes = [1], strides = [1]} : vector<16xi32> to vector<1xi32>
      %squeeze3A_513 = vector.extract %slice3A_512[0] : i32 from vector<1xi32>
      %add3A_514 = arith.constant 12 : i32
      %add3A_515 = arith.addi %mul3A_219, %add3A_514 : i32
      %dma_start3A_516 = arith.constant 0 : i32
      %dma_start3A_517 = tpu.memref_slice %arg10[%add3A_515, %dma_start3A_516] : memref<256x32xf32, #tpu.memory_space<vmem>> -> memref<1x32xf32, #tpu.memory_space<vmem>>
      %dma_start3A_518 = arith.constant 0 : i32
      %dma_start3A_519 = tpu.memref_slice %arg4[%squeeze3A_511, %dma_start3A_518] : memref<1000000x32xf32, #tpu.memory_space<hbm>> -> memref<1x32xf32, #tpu.memory_space<hbm>>
      %dma_start3A_520 = arith.constant 0 : i32
      %dma_start3A_521 = tpu.memref_slice %arg10[%add3A_515, %dma_start3A_520] : memref<256x32xf32, #tpu.memory_space<vmem>> -> memref<1x32xf32, #tpu.memory_space<vmem>>
      %dma_start3A_522 = arith.constant 0 : i32
      %dma_start3A_523 = tpu.memref_slice %arg4[%squeeze3A_511, %dma_start3A_522] : memref<1000000x32xf32, #tpu.memory_space<hbm>> -> memref<1x32xf32, #tpu.memory_space<hbm>>
      tpu.enqueue_dma source(%dma_start3A_523 : memref<1x32xf32, #tpu.memory_space<hbm>>) target(%dma_start3A_521 : memref<1x32xf32, #tpu.memory_space<vmem>>) target_semaphore(%arg12 : memref<!tpu.dma_semaphore, #tpu.memory_space<semaphore_mem>>)
      %add3A_524 = arith.constant 12 : i32
      %add3A_525 = arith.addi %mul3A_219, %add3A_524 : i32
      %dma_start3A_526 = arith.constant 0 : i32
      %dma_start3A_527 = tpu.memref_slice %arg11[%add3A_525, %dma_start3A_526] : memref<256x32xf32, #tpu.memory_space<vmem>> -> memref<1x32xf32, #tpu.memory_space<vmem>>
      %dma_start3A_528 = arith.constant 0 : i32
      %dma_start3A_529 = tpu.memref_slice %arg5[%squeeze3A_513, %dma_start3A_528] : memref<1000000x32xf32, #tpu.memory_space<hbm>> -> memref<1x32xf32, #tpu.memory_space<hbm>>
      %dma_start3A_530 = arith.constant 0 : i32
      %dma_start3A_531 = tpu.memref_slice %arg11[%add3A_525, %dma_start3A_530] : memref<256x32xf32, #tpu.memory_space<vmem>> -> memref<1x32xf32, #tpu.memory_space<vmem>>
      %dma_start3A_532 = arith.constant 0 : i32
      %dma_start3A_533 = tpu.memref_slice %arg5[%squeeze3A_513, %dma_start3A_532] : memref<1000000x32xf32, #tpu.memory_space<hbm>> -> memref<1x32xf32, #tpu.memory_space<hbm>>
      tpu.enqueue_dma source(%dma_start3A_533 : memref<1x32xf32, #tpu.memory_space<hbm>>) target(%dma_start3A_531 : memref<1x32xf32, #tpu.memory_space<vmem>>) target_semaphore(%arg13 : memref<!tpu.dma_semaphore, #tpu.memory_space<semaphore_mem>>)
      %slice3A_534 = vector.extract_strided_slice %get3A_221 {offsets = [13], sizes = [1], strides = [1]} : vector<16xi32> to vector<1xi32>
      %squeeze3A_535 = vector.extract %slice3A_534[0] : i32 from vector<1xi32>
      %slice3A_536 = vector.extract_strided_slice %get3A_224 {offsets = [13], sizes = [1], strides = [1]} : vector<16xi32> to vector<1xi32>
      %squeeze3A_537 = vector.extract %slice3A_536[0] : i32 from vector<1xi32>
      %add3A_538 = arith.constant 13 : i32
      %add3A_539 = arith.addi %mul3A_219, %add3A_538 : i32
      %dma_start3A_540 = arith.constant 0 : i32
      %dma_start3A_541 = tpu.memref_slice %arg10[%add3A_539, %dma_start3A_540] : memref<256x32xf32, #tpu.memory_space<vmem>> -> memref<1x32xf32, #tpu.memory_space<vmem>>
      %dma_start3A_542 = arith.constant 0 : i32
      %dma_start3A_543 = tpu.memref_slice %arg4[%squeeze3A_535, %dma_start3A_542] : memref<1000000x32xf32, #tpu.memory_space<hbm>> -> memref<1x32xf32, #tpu.memory_space<hbm>>
      %dma_start3A_544 = arith.constant 0 : i32
      %dma_start3A_545 = tpu.memref_slice %arg10[%add3A_539, %dma_start3A_544] : memref<256x32xf32, #tpu.memory_space<vmem>> -> memref<1x32xf32, #tpu.memory_space<vmem>>
      %dma_start3A_546 = arith.constant 0 : i32
      %dma_start3A_547 = tpu.memref_slice %arg4[%squeeze3A_535, %dma_start3A_546] : memref<1000000x32xf32, #tpu.memory_space<hbm>> -> memref<1x32xf32, #tpu.memory_space<hbm>>
      tpu.enqueue_dma source(%dma_start3A_547 : memref<1x32xf32, #tpu.memory_space<hbm>>) target(%dma_start3A_545 : memref<1x32xf32, #tpu.memory_space<vmem>>) target_semaphore(%arg14 : memref<!tpu.dma_semaphore, #tpu.memory_space<semaphore_mem>>)
      %add3A_548 = arith.constant 13 : i32
      %add3A_549 = arith.addi %mul3A_219, %add3A_548 : i32
      %dma_start3A_550 = arith.constant 0 : i32
      %dma_start3A_551 = tpu.memref_slice %arg11[%add3A_549, %dma_start3A_550] : memref<256x32xf32, #tpu.memory_space<vmem>> -> memref<1x32xf32, #tpu.memory_space<vmem>>
      %dma_start3A_552 = arith.constant 0 : i32
      %dma_start3A_553 = tpu.memref_slice %arg5[%squeeze3A_537, %dma_start3A_552] : memref<1000000x32xf32, #tpu.memory_space<hbm>> -> memref<1x32xf32, #tpu.memory_space<hbm>>
      %dma_start3A_554 = arith.constant 0 : i32
      %dma_start3A_555 = tpu.memref_slice %arg11[%add3A_549, %dma_start3A_554] : memref<256x32xf32, #tpu.memory_space<vmem>> -> memref<1x32xf32, #tpu.memory_space<vmem>>
      %dma_start3A_556 = arith.constant 0 : i32
      %dma_start3A_557 = tpu.memref_slice %arg5[%squeeze3A_537, %dma_start3A_556] : memref<1000000x32xf32, #tpu.memory_space<hbm>> -> memref<1x32xf32, #tpu.memory_space<hbm>>
      tpu.enqueue_dma source(%dma_start3A_557 : memref<1x32xf32, #tpu.memory_space<hbm>>) target(%dma_start3A_555 : memref<1x32xf32, #tpu.memory_space<vmem>>) target_semaphore(%arg15 : memref<!tpu.dma_semaphore, #tpu.memory_space<semaphore_mem>>)
      %slice3A_558 = vector.extract_strided_slice %get3A_221 {offsets = [14], sizes = [1], strides = [1]} : vector<16xi32> to vector<1xi32>
      %squeeze3A_559 = vector.extract %slice3A_558[0] : i32 from vector<1xi32>
      %slice3A_560 = vector.extract_strided_slice %get3A_224 {offsets = [14], sizes = [1], strides = [1]} : vector<16xi32> to vector<1xi32>
      %squeeze3A_561 = vector.extract %slice3A_560[0] : i32 from vector<1xi32>
      %add3A_562 = arith.constant 14 : i32
      %add3A_563 = arith.addi %mul3A_219, %add3A_562 : i32
      %dma_start3A_564 = arith.constant 0 : i32
      %dma_start3A_565 = tpu.memref_slice %arg10[%add3A_563, %dma_start3A_564] : memref<256x32xf32, #tpu.memory_space<vmem>> -> memref<1x32xf32, #tpu.memory_space<vmem>>
      %dma_start3A_566 = arith.constant 0 : i32
      %dma_start3A_567 = tpu.memref_slice %arg4[%squeeze3A_559, %dma_start3A_566] : memref<1000000x32xf32, #tpu.memory_space<hbm>> -> memref<1x32xf32, #tpu.memory_space<hbm>>
      %dma_start3A_568 = arith.constant 0 : i32
      %dma_start3A_569 = tpu.memref_slice %arg10[%add3A_563, %dma_start3A_568] : memref<256x32xf32, #tpu.memory_space<vmem>> -> memref<1x32xf32, #tpu.memory_space<vmem>>
      %dma_start3A_570 = arith.constant 0 : i32
      %dma_start3A_571 = tpu.memref_slice %arg4[%squeeze3A_559, %dma_start3A_570] : memref<1000000x32xf32, #tpu.memory_space<hbm>> -> memref<1x32xf32, #tpu.memory_space<hbm>>
      tpu.enqueue_dma source(%dma_start3A_571 : memref<1x32xf32, #tpu.memory_space<hbm>>) target(%dma_start3A_569 : memref<1x32xf32, #tpu.memory_space<vmem>>) target_semaphore(%arg16 : memref<!tpu.dma_semaphore, #tpu.memory_space<semaphore_mem>>)
      %add3A_572 = arith.constant 14 : i32
      %add3A_573 = arith.addi %mul3A_219, %add3A_572 : i32
      %dma_start3A_574 = arith.constant 0 : i32
      %dma_start3A_575 = tpu.memref_slice %arg11[%add3A_573, %dma_start3A_574] : memref<256x32xf32, #tpu.memory_space<vmem>> -> memref<1x32xf32, #tpu.memory_space<vmem>>
      %dma_start3A_576 = arith.constant 0 : i32
      %dma_start3A_577 = tpu.memref_slice %arg5[%squeeze3A_561, %dma_start3A_576] : memref<1000000x32xf32, #tpu.memory_space<hbm>> -> memref<1x32xf32, #tpu.memory_space<hbm>>
      %dma_start3A_578 = arith.constant 0 : i32
      %dma_start3A_579 = tpu.memref_slice %arg11[%add3A_573, %dma_start3A_578] : memref<256x32xf32, #tpu.memory_space<vmem>> -> memref<1x32xf32, #tpu.memory_space<vmem>>
      %dma_start3A_580 = arith.constant 0 : i32
      %dma_start3A_581 = tpu.memref_slice %arg5[%squeeze3A_561, %dma_start3A_580] : memref<1000000x32xf32, #tpu.memory_space<hbm>> -> memref<1x32xf32, #tpu.memory_space<hbm>>
      tpu.enqueue_dma source(%dma_start3A_581 : memref<1x32xf32, #tpu.memory_space<hbm>>) target(%dma_start3A_579 : memref<1x32xf32, #tpu.memory_space<vmem>>) target_semaphore(%arg17 : memref<!tpu.dma_semaphore, #tpu.memory_space<semaphore_mem>>)
      %slice3A_582 = vector.extract_strided_slice %get3A_221 {offsets = [15], sizes = [1], strides = [1]} : vector<16xi32> to vector<1xi32>
      %squeeze3A_583 = vector.extract %slice3A_582[0] : i32 from vector<1xi32>
      %slice3A_584 = vector.extract_strided_slice %get3A_224 {offsets = [15], sizes = [1], strides = [1]} : vector<16xi32> to vector<1xi32>
      %squeeze3A_585 = vector.extract %slice3A_584[0] : i32 from vector<1xi32>
      %add3A_586 = arith.constant 15 : i32
      %add3A_587 = arith.addi %mul3A_219, %add3A_586 : i32
      %dma_start3A_588 = arith.constant 0 : i32
      %dma_start3A_589 = tpu.memref_slice %arg10[%add3A_587, %dma_start3A_588] : memref<256x32xf32, #tpu.memory_space<vmem>> -> memref<1x32xf32, #tpu.memory_space<vmem>>
      %dma_start3A_590 = arith.constant 0 : i32
      %dma_start3A_591 = tpu.memref_slice %arg4[%squeeze3A_583, %dma_start3A_590] : memref<1000000x32xf32, #tpu.memory_space<hbm>> -> memref<1x32xf32, #tpu.memory_space<hbm>>
      %dma_start3A_592 = arith.constant 0 : i32
      %dma_start3A_593 = tpu.memref_slice %arg10[%add3A_587, %dma_start3A_592] : memref<256x32xf32, #tpu.memory_space<vmem>> -> memref<1x32xf32, #tpu.memory_space<vmem>>
      %dma_start3A_594 = arith.constant 0 : i32
      %dma_start3A_595 = tpu.memref_slice %arg4[%squeeze3A_583, %dma_start3A_594] : memref<1000000x32xf32, #tpu.memory_space<hbm>> -> memref<1x32xf32, #tpu.memory_space<hbm>>
      tpu.enqueue_dma source(%dma_start3A_595 : memref<1x32xf32, #tpu.memory_space<hbm>>) target(%dma_start3A_593 : memref<1x32xf32, #tpu.memory_space<vmem>>) target_semaphore(%arg18 : memref<!tpu.dma_semaphore, #tpu.memory_space<semaphore_mem>>)
      %add3A_596 = arith.constant 15 : i32
      %add3A_597 = arith.addi %mul3A_219, %add3A_596 : i32
      %dma_start3A_598 = arith.constant 0 : i32
      %dma_start3A_599 = tpu.memref_slice %arg11[%add3A_597, %dma_start3A_598] : memref<256x32xf32, #tpu.memory_space<vmem>> -> memref<1x32xf32, #tpu.memory_space<vmem>>
      %dma_start3A_600 = arith.constant 0 : i32
      %dma_start3A_601 = tpu.memref_slice %arg5[%squeeze3A_585, %dma_start3A_600] : memref<1000000x32xf32, #tpu.memory_space<hbm>> -> memref<1x32xf32, #tpu.memory_space<hbm>>
      %dma_start3A_602 = arith.constant 0 : i32
      %dma_start3A_603 = tpu.memref_slice %arg11[%add3A_597, %dma_start3A_602] : memref<256x32xf32, #tpu.memory_space<vmem>> -> memref<1x32xf32, #tpu.memory_space<vmem>>
      %dma_start3A_604 = arith.constant 0 : i32
      %dma_start3A_605 = tpu.memref_slice %arg5[%squeeze3A_585, %dma_start3A_604] : memref<1000000x32xf32, #tpu.memory_space<hbm>> -> memref<1x32xf32, #tpu.memory_space<hbm>>
      tpu.enqueue_dma source(%dma_start3A_605 : memref<1x32xf32, #tpu.memory_space<hbm>>) target(%dma_start3A_603 : memref<1x32xf32, #tpu.memory_space<vmem>>) target_semaphore(%arg19 : memref<!tpu.dma_semaphore, #tpu.memory_space<semaphore_mem>>)
    }
    %scan3A_7 = arith.constant 16 : i32
    %dma_wait3A = arith.constant 0 : i32
    %dma_wait3A_8 = arith.constant 0 : i32
    %dma_wait3A_9 = tpu.memref_slice %arg10[%dma_wait3A, %dma_wait3A_8] : memref<256x32xf32, #tpu.memory_space<vmem>> -> memref<64x32xf32, #tpu.memory_space<vmem>>
    %dma_wait3A_10 = arith.constant 0 : i32
    %dma_wait3A_11 = arith.constant 0 : i32
    %dma_wait3A_12 = tpu.memref_slice %arg4[%dma_wait3A_10, %dma_wait3A_11] : memref<1000000x32xf32, #tpu.memory_space<hbm>> -> memref<64x32xf32, #tpu.memory_space<hbm>>
    %dma_wait3A_13 = arith.constant 0 : i32
    %dma_wait3A_14 = arith.constant 0 : i32
    %dma_wait3A_15 = tpu.memref_slice %arg10[%dma_wait3A_13, %dma_wait3A_14] : memref<256x32xf32, #tpu.memory_space<vmem>> -> memref<64x32xf32, #tpu.memory_space<vmem>>
    %dma_wait3A_16 = arith.constant 0 : i32
    %dma_wait3A_17 = arith.constant 0 : i32
    %dma_wait3A_18 = tpu.memref_slice %arg4[%dma_wait3A_16, %dma_wait3A_17] : memref<1000000x32xf32, #tpu.memory_space<hbm>> -> memref<64x32xf32, #tpu.memory_space<hbm>>
    tpu.wait_dma2 semaphore(%arg12 : memref<!tpu.dma_semaphore, #tpu.memory_space<semaphore_mem>>) src(%dma_wait3A_18 : memref<64x32xf32, #tpu.memory_space<hbm>>) dst(%dma_wait3A_15 : memref<64x32xf32, #tpu.memory_space<vmem>>)
    %dma_wait3A_19 = arith.constant 0 : i32
    %dma_wait3A_20 = arith.constant 0 : i32
    %dma_wait3A_21 = tpu.memref_slice %arg11[%dma_wait3A_19, %dma_wait3A_20] : memref<256x32xf32, #tpu.memory_space<vmem>> -> memref<64x32xf32, #tpu.memory_space<vmem>>
    %dma_wait3A_22 = arith.constant 0 : i32
    %dma_wait3A_23 = arith.constant 0 : i32
    %dma_wait3A_24 = tpu.memref_slice %arg5[%dma_wait3A_22, %dma_wait3A_23] : memref<1000000x32xf32, #tpu.memory_space<hbm>> -> memref<64x32xf32, #tpu.memory_space<hbm>>
    %dma_wait3A_25 = arith.constant 0 : i32
    %dma_wait3A_26 = arith.constant 0 : i32
    %dma_wait3A_27 = tpu.memref_slice %arg11[%dma_wait3A_25, %dma_wait3A_26] : memref<256x32xf32, #tpu.memory_space<vmem>> -> memref<64x32xf32, #tpu.memory_space<vmem>>
    %dma_wait3A_28 = arith.constant 0 : i32
    %dma_wait3A_29 = arith.constant 0 : i32
    %dma_wait3A_30 = tpu.memref_slice %arg5[%dma_wait3A_28, %dma_wait3A_29] : memref<1000000x32xf32, #tpu.memory_space<hbm>> -> memref<64x32xf32, #tpu.memory_space<hbm>>
    tpu.wait_dma2 semaphore(%arg13 : memref<!tpu.dma_semaphore, #tpu.memory_space<semaphore_mem>>) src(%dma_wait3A_30 : memref<64x32xf32, #tpu.memory_space<hbm>>) dst(%dma_wait3A_27 : memref<64x32xf32, #tpu.memory_space<vmem>>)
    %dma_wait3A_31 = arith.constant 0 : i32
    %dma_wait3A_32 = arith.constant 0 : i32
    %dma_wait3A_33 = tpu.memref_slice %arg10[%dma_wait3A_31, %dma_wait3A_32] : memref<256x32xf32, #tpu.memory_space<vmem>> -> memref<64x32xf32, #tpu.memory_space<vmem>>
    %dma_wait3A_34 = arith.constant 0 : i32
    %dma_wait3A_35 = arith.constant 0 : i32
    %dma_wait3A_36 = tpu.memref_slice %arg4[%dma_wait3A_34, %dma_wait3A_35] : memref<1000000x32xf32, #tpu.memory_space<hbm>> -> memref<64x32xf32, #tpu.memory_space<hbm>>
    %dma_wait3A_37 = arith.constant 0 : i32
    %dma_wait3A_38 = arith.constant 0 : i32
    %dma_wait3A_39 = tpu.memref_slice %arg10[%dma_wait3A_37, %dma_wait3A_38] : memref<256x32xf32, #tpu.memory_space<vmem>> -> memref<64x32xf32, #tpu.memory_space<vmem>>
    %dma_wait3A_40 = arith.constant 0 : i32
    %dma_wait3A_41 = arith.constant 0 : i32
    %dma_wait3A_42 = tpu.memref_slice %arg4[%dma_wait3A_40, %dma_wait3A_41] : memref<1000000x32xf32, #tpu.memory_space<hbm>> -> memref<64x32xf32, #tpu.memory_space<hbm>>
    tpu.wait_dma2 semaphore(%arg14 : memref<!tpu.dma_semaphore, #tpu.memory_space<semaphore_mem>>) src(%dma_wait3A_42 : memref<64x32xf32, #tpu.memory_space<hbm>>) dst(%dma_wait3A_39 : memref<64x32xf32, #tpu.memory_space<vmem>>)
    %dma_wait3A_43 = arith.constant 0 : i32
    %dma_wait3A_44 = arith.constant 0 : i32
    %dma_wait3A_45 = tpu.memref_slice %arg11[%dma_wait3A_43, %dma_wait3A_44] : memref<256x32xf32, #tpu.memory_space<vmem>> -> memref<64x32xf32, #tpu.memory_space<vmem>>
    %dma_wait3A_46 = arith.constant 0 : i32
    %dma_wait3A_47 = arith.constant 0 : i32
    %dma_wait3A_48 = tpu.memref_slice %arg5[%dma_wait3A_46, %dma_wait3A_47] : memref<1000000x32xf32, #tpu.memory_space<hbm>> -> memref<64x32xf32, #tpu.memory_space<hbm>>
    %dma_wait3A_49 = arith.constant 0 : i32
    %dma_wait3A_50 = arith.constant 0 : i32
    %dma_wait3A_51 = tpu.memref_slice %arg11[%dma_wait3A_49, %dma_wait3A_50] : memref<256x32xf32, #tpu.memory_space<vmem>> -> memref<64x32xf32, #tpu.memory_space<vmem>>
    %dma_wait3A_52 = arith.constant 0 : i32
    %dma_wait3A_53 = arith.constant 0 : i32
    %dma_wait3A_54 = tpu.memref_slice %arg5[%dma_wait3A_52, %dma_wait3A_53] : memref<1000000x32xf32, #tpu.memory_space<hbm>> -> memref<64x32xf32, #tpu.memory_space<hbm>>
    tpu.wait_dma2 semaphore(%arg15 : memref<!tpu.dma_semaphore, #tpu.memory_space<semaphore_mem>>) src(%dma_wait3A_54 : memref<64x32xf32, #tpu.memory_space<hbm>>) dst(%dma_wait3A_51 : memref<64x32xf32, #tpu.memory_space<vmem>>)
    %dma_wait3A_55 = arith.constant 0 : i32
    %dma_wait3A_56 = arith.constant 0 : i32
    %dma_wait3A_57 = tpu.memref_slice %arg10[%dma_wait3A_55, %dma_wait3A_56] : memref<256x32xf32, #tpu.memory_space<vmem>> -> memref<64x32xf32, #tpu.memory_space<vmem>>
    %dma_wait3A_58 = arith.constant 0 : i32
    %dma_wait3A_59 = arith.constant 0 : i32
    %dma_wait3A_60 = tpu.memref_slice %arg4[%dma_wait3A_58, %dma_wait3A_59] : memref<1000000x32xf32, #tpu.memory_space<hbm>> -> memref<64x32xf32, #tpu.memory_space<hbm>>
    %dma_wait3A_61 = arith.constant 0 : i32
    %dma_wait3A_62 = arith.constant 0 : i32
    %dma_wait3A_63 = tpu.memref_slice %arg10[%dma_wait3A_61, %dma_wait3A_62] : memref<256x32xf32, #tpu.memory_space<vmem>> -> memref<64x32xf32, #tpu.memory_space<vmem>>
    %dma_wait3A_64 = arith.constant 0 : i32
    %dma_wait3A_65 = arith.constant 0 : i32
    %dma_wait3A_66 = tpu.memref_slice %arg4[%dma_wait3A_64, %dma_wait3A_65] : memref<1000000x32xf32, #tpu.memory_space<hbm>> -> memref<64x32xf32, #tpu.memory_space<hbm>>
    tpu.wait_dma2 semaphore(%arg16 : memref<!tpu.dma_semaphore, #tpu.memory_space<semaphore_mem>>) src(%dma_wait3A_66 : memref<64x32xf32, #tpu.memory_space<hbm>>) dst(%dma_wait3A_63 : memref<64x32xf32, #tpu.memory_space<vmem>>)
    %dma_wait3A_67 = arith.constant 0 : i32
    %dma_wait3A_68 = arith.constant 0 : i32
    %dma_wait3A_69 = tpu.memref_slice %arg11[%dma_wait3A_67, %dma_wait3A_68] : memref<256x32xf32, #tpu.memory_space<vmem>> -> memref<64x32xf32, #tpu.memory_space<vmem>>
    %dma_wait3A_70 = arith.constant 0 : i32
    %dma_wait3A_71 = arith.constant 0 : i32
    %dma_wait3A_72 = tpu.memref_slice %arg5[%dma_wait3A_70, %dma_wait3A_71] : memref<1000000x32xf32, #tpu.memory_space<hbm>> -> memref<64x32xf32, #tpu.memory_space<hbm>>
    %dma_wait3A_73 = arith.constant 0 : i32
    %dma_wait3A_74 = arith.constant 0 : i32
    %dma_wait3A_75 = tpu.memref_slice %arg11[%dma_wait3A_73, %dma_wait3A_74] : memref<256x32xf32, #tpu.memory_space<vmem>> -> memref<64x32xf32, #tpu.memory_space<vmem>>
    %dma_wait3A_76 = arith.constant 0 : i32
    %dma_wait3A_77 = arith.constant 0 : i32
    %dma_wait3A_78 = tpu.memref_slice %arg5[%dma_wait3A_76, %dma_wait3A_77] : memref<1000000x32xf32, #tpu.memory_space<hbm>> -> memref<64x32xf32, #tpu.memory_space<hbm>>
    tpu.wait_dma2 semaphore(%arg17 : memref<!tpu.dma_semaphore, #tpu.memory_space<semaphore_mem>>) src(%dma_wait3A_78 : memref<64x32xf32, #tpu.memory_space<hbm>>) dst(%dma_wait3A_75 : memref<64x32xf32, #tpu.memory_space<vmem>>)
    %dma_wait3A_79 = arith.constant 0 : i32
    %dma_wait3A_80 = arith.constant 0 : i32
    %dma_wait3A_81 = tpu.memref_slice %arg10[%dma_wait3A_79, %dma_wait3A_80] : memref<256x32xf32, #tpu.memory_space<vmem>> -> memref<64x32xf32, #tpu.memory_space<vmem>>
    %dma_wait3A_82 = arith.constant 0 : i32
    %dma_wait3A_83 = arith.constant 0 : i32
    %dma_wait3A_84 = tpu.memref_slice %arg4[%dma_wait3A_82, %dma_wait3A_83] : memref<1000000x32xf32, #tpu.memory_space<hbm>> -> memref<64x32xf32, #tpu.memory_space<hbm>>
    %dma_wait3A_85 = arith.constant 0 : i32
    %dma_wait3A_86 = arith.constant 0 : i32
    %dma_wait3A_87 = tpu.memref_slice %arg10[%dma_wait3A_85, %dma_wait3A_86] : memref<256x32xf32, #tpu.memory_space<vmem>> -> memref<64x32xf32, #tpu.memory_space<vmem>>
    %dma_wait3A_88 = arith.constant 0 : i32
    %dma_wait3A_89 = arith.constant 0 : i32
    %dma_wait3A_90 = tpu.memref_slice %arg4[%dma_wait3A_88, %dma_wait3A_89] : memref<1000000x32xf32, #tpu.memory_space<hbm>> -> memref<64x32xf32, #tpu.memory_space<hbm>>
    tpu.wait_dma2 semaphore(%arg18 : memref<!tpu.dma_semaphore, #tpu.memory_space<semaphore_mem>>) src(%dma_wait3A_90 : memref<64x32xf32, #tpu.memory_space<hbm>>) dst(%dma_wait3A_87 : memref<64x32xf32, #tpu.memory_space<vmem>>)
    %dma_wait3A_91 = arith.constant 0 : i32
    %dma_wait3A_92 = arith.constant 0 : i32
    %dma_wait3A_93 = tpu.memref_slice %arg11[%dma_wait3A_91, %dma_wait3A_92] : memref<256x32xf32, #tpu.memory_space<vmem>> -> memref<64x32xf32, #tpu.memory_space<vmem>>
    %dma_wait3A_94 = arith.constant 0 : i32
    %dma_wait3A_95 = arith.constant 0 : i32
    %dma_wait3A_96 = tpu.memref_slice %arg5[%dma_wait3A_94, %dma_wait3A_95] : memref<1000000x32xf32, #tpu.memory_space<hbm>> -> memref<64x32xf32, #tpu.memory_space<hbm>>
    %dma_wait3A_97 = arith.constant 0 : i32
    %dma_wait3A_98 = arith.constant 0 : i32
    %dma_wait3A_99 = tpu.memref_slice %arg11[%dma_wait3A_97, %dma_wait3A_98] : memref<256x32xf32, #tpu.memory_space<vmem>> -> memref<64x32xf32, #tpu.memory_space<vmem>>
    %dma_wait3A_100 = arith.constant 0 : i32
    %dma_wait3A_101 = arith.constant 0 : i32
    %dma_wait3A_102 = tpu.memref_slice %arg5[%dma_wait3A_100, %dma_wait3A_101] : memref<1000000x32xf32, #tpu.memory_space<hbm>> -> memref<64x32xf32, #tpu.memory_space<hbm>>
    tpu.wait_dma2 semaphore(%arg19 : memref<!tpu.dma_semaphore, #tpu.memory_space<semaphore_mem>>) src(%dma_wait3A_102 : memref<64x32xf32, #tpu.memory_space<hbm>>) dst(%dma_wait3A_99 : memref<64x32xf32, #tpu.memory_space<vmem>>)
    %add3A_103 = arith.constant 0 : i32
    %add3A_104 = arith.addi %mul3A_2, %add3A_103 : i32
    "tpu.region"() ({
      %run_scoped3A = tpu.sem_alloc : memref<!tpu.dma_semaphore, #tpu.memory_space<semaphore_mem>>
      %dma_start3A = arith.constant 0 : i32
      %dma_start3A_213 = tpu.memref_slice %arg6[%add3A_104, %dma_start3A] : memref<16384x32xf32, #tpu.memory_space<hbm>> -> memref<256x32xf32, #tpu.memory_space<hbm>>
      %dma_start3A_214 = arith.constant 0 : i32
      %dma_start3A_215 = tpu.memref_slice %arg6[%add3A_104, %dma_start3A_214] : memref<16384x32xf32, #tpu.memory_space<hbm>> -> memref<256x32xf32, #tpu.memory_space<hbm>>
      tpu.enqueue_dma source(%arg10 : memref<256x32xf32, #tpu.memory_space<vmem>>) target(%dma_start3A_215 : memref<256x32xf32, #tpu.memory_space<hbm>>) target_semaphore(%run_scoped3A : memref<!tpu.dma_semaphore, #tpu.memory_space<semaphore_mem>>)
      %dma_wait3A_216 = arith.constant 0 : i32
      %dma_wait3A_217 = tpu.memref_slice %arg6[%add3A_104, %dma_wait3A_216] : memref<16384x32xf32, #tpu.memory_space<hbm>> -> memref<256x32xf32, #tpu.memory_space<hbm>>
      %dma_wait3A_218 = arith.constant 0 : i32
      %dma_wait3A_219 = tpu.memref_slice %arg6[%add3A_104, %dma_wait3A_218] : memref<16384x32xf32, #tpu.memory_space<hbm>> -> memref<256x32xf32, #tpu.memory_space<hbm>>
      tpu.wait_dma2 semaphore(%run_scoped3A : memref<!tpu.dma_semaphore, #tpu.memory_space<semaphore_mem>>) src(%arg10 : memref<256x32xf32, #tpu.memory_space<vmem>>) dst(%dma_wait3A_219 : memref<256x32xf32, #tpu.memory_space<hbm>>)
      tpu.yield
    }) : () -> ()
    %add3A_105 = arith.constant 0 : i32
    %add3A_106 = arith.addi %mul3A_2, %add3A_105 : i32
    "tpu.region"() ({
      %run_scoped3A = tpu.sem_alloc : memref<!tpu.dma_semaphore, #tpu.memory_space<semaphore_mem>>
      %dma_start3A = arith.constant 0 : i32
      %dma_start3A_213 = tpu.memref_slice %arg7[%add3A_106, %dma_start3A] : memref<16384x32xf32, #tpu.memory_space<hbm>> -> memref<256x32xf32, #tpu.memory_space<hbm>>
      %dma_start3A_214 = arith.constant 0 : i32
      %dma_start3A_215 = tpu.memref_slice %arg7[%add3A_106, %dma_start3A_214] : memref<16384x32xf32, #tpu.memory_space<hbm>> -> memref<256x32xf32, #tpu.memory_space<hbm>>
      tpu.enqueue_dma source(%arg11 : memref<256x32xf32, #tpu.memory_space<vmem>>) target(%dma_start3A_215 : memref<256x32xf32, #tpu.memory_space<hbm>>) target_semaphore(%run_scoped3A : memref<!tpu.dma_semaphore, #tpu.memory_space<semaphore_mem>>)
      %dma_wait3A_216 = arith.constant 0 : i32
      %dma_wait3A_217 = tpu.memref_slice %arg7[%add3A_106, %dma_wait3A_216] : memref<16384x32xf32, #tpu.memory_space<hbm>> -> memref<256x32xf32, #tpu.memory_space<hbm>>
      %dma_wait3A_218 = arith.constant 0 : i32
      %dma_wait3A_219 = tpu.memref_slice %arg7[%add3A_106, %dma_wait3A_218] : memref<16384x32xf32, #tpu.memory_space<hbm>> -> memref<256x32xf32, #tpu.memory_space<hbm>>
      tpu.wait_dma2 semaphore(%run_scoped3A : memref<!tpu.dma_semaphore, #tpu.memory_space<semaphore_mem>>) src(%arg11 : memref<256x32xf32, #tpu.memory_space<vmem>>) dst(%dma_wait3A_219 : memref<256x32xf32, #tpu.memory_space<hbm>>)
      tpu.yield
    }) : () -> ()
    %scan3A_107 = arith.constant 0 : i32
    %scan3A_108 = arith.constant 0 : i32
    %scan3A_109 = arith.constant 16 : i32
    %scan3A_110 = arith.addi %scan3A_108, %scan3A_109 : i32
    %scan3A_111 = arith.constant 1 : i32
    scf.for %scan3A_213 = %scan3A_108 to %scan3A_110 step %scan3A_111  : i32 {
      %mul3A_214 = arith.constant 16 : i32
      %mul3A_215 = arith.muli %scan3A_213, %mul3A_214 : i32
      %add3A_216 = arith.constant 256 : i32
      %add3A_217 = arith.addi %add3A_216, %mul3A_215 : i32
      %mul3A_218 = arith.constant 16 : i32
      %mul3A_219 = arith.muli %scan3A_213, %mul3A_218 : i32
      %get3A = arith.index_cast %add3A_217 : i32 to index
      %get3A_220 = tpu.vector_load %arg8[%get3A] {strides = array<i32>} : memref<512xi32, #tpu.memory_space<vmem>>, vector<16xi32>,
      %get3A_221 = vector.shape_cast %get3A_220 : vector<16xi32> to vector<16xi32>
      %get3A_222 = arith.index_cast %add3A_217 : i32 to index
      %get3A_223 = tpu.vector_load %arg9[%get3A_222] {strides = array<i32>} : memref<512xi32, #tpu.memory_space<vmem>>, vector<16xi32>,
      %get3A_224 = vector.shape_cast %get3A_223 : vector<16xi32> to vector<16xi32>
      %slice3A = vector.extract_strided_slice %get3A_221 {offsets = [0], sizes = [1], strides = [1]} : vector<16xi32> to vector<1xi32>
      %squeeze3A = vector.extract %slice3A[0] : i32 from vector<1xi32>
      %slice3A_225 = vector.extract_strided_slice %get3A_224 {offsets = [0], sizes = [1], strides = [1]} : vector<16xi32> to vector<1xi32>
      %squeeze3A_226 = vector.extract %slice3A_225[0] : i32 from vector<1xi32>
      %add3A_227 = arith.constant 0 : i32
      %add3A_228 = arith.addi %mul3A_219, %add3A_227 : i32
      %dma_start3A = arith.constant 0 : i32
      %dma_start3A_229 = tpu.memref_slice %arg10[%add3A_228, %dma_start3A] : memref<256x32xf32, #tpu.memory_space<vmem>> -> memref<1x32xf32, #tpu.memory_space<vmem>>
      %dma_start3A_230 = arith.constant 0 : i32
      %dma_start3A_231 = tpu.memref_slice %arg4[%squeeze3A, %dma_start3A_230] : memref<1000000x32xf32, #tpu.memory_space<hbm>> -> memref<1x32xf32, #tpu.memory_space<hbm>>
      %dma_start3A_232 = arith.constant 0 : i32
      %dma_start3A_233 = tpu.memref_slice %arg10[%add3A_228, %dma_start3A_232] : memref<256x32xf32, #tpu.memory_space<vmem>> -> memref<1x32xf32, #tpu.memory_space<vmem>>
      %dma_start3A_234 = arith.constant 0 : i32
      %dma_start3A_235 = tpu.memref_slice %arg4[%squeeze3A, %dma_start3A_234] : memref<1000000x32xf32, #tpu.memory_space<hbm>> -> memref<1x32xf32, #tpu.memory_space<hbm>>
      tpu.enqueue_dma source(%dma_start3A_235 : memref<1x32xf32, #tpu.memory_space<hbm>>) target(%dma_start3A_233 : memref<1x32xf32, #tpu.memory_space<vmem>>) target_semaphore(%arg12 : memref<!tpu.dma_semaphore, #tpu.memory_space<semaphore_mem>>)
      %add3A_236 = arith.constant 0 : i32
      %add3A_237 = arith.addi %mul3A_219, %add3A_236 : i32
      %dma_start3A_238 = arith.constant 0 : i32
      %dma_start3A_239 = tpu.memref_slice %arg11[%add3A_237, %dma_start3A_238] : memref<256x32xf32, #tpu.memory_space<vmem>> -> memref<1x32xf32, #tpu.memory_space<vmem>>
      %dma_start3A_240 = arith.constant 0 : i32
      %dma_start3A_241 = tpu.memref_slice %arg5[%squeeze3A_226, %dma_start3A_240] : memref<1000000x32xf32, #tpu.memory_space<hbm>> -> memref<1x32xf32, #tpu.memory_space<hbm>>
      %dma_start3A_242 = arith.constant 0 : i32
      %dma_start3A_243 = tpu.memref_slice %arg11[%add3A_237, %dma_start3A_242] : memref<256x32xf32, #tpu.memory_space<vmem>> -> memref<1x32xf32, #tpu.memory_space<vmem>>
      %dma_start3A_244 = arith.constant 0 : i32
      %dma_start3A_245 = tpu.memref_slice %arg5[%squeeze3A_226, %dma_start3A_244] : memref<1000000x32xf32, #tpu.memory_space<hbm>> -> memref<1x32xf32, #tpu.memory_space<hbm>>
      tpu.enqueue_dma source(%dma_start3A_245 : memref<1x32xf32, #tpu.memory_space<hbm>>) target(%dma_start3A_243 : memref<1x32xf32, #tpu.memory_space<vmem>>) target_semaphore(%arg13 : memref<!tpu.dma_semaphore, #tpu.memory_space<semaphore_mem>>)
      %slice3A_246 = vector.extract_strided_slice %get3A_221 {offsets = [1], sizes = [1], strides = [1]} : vector<16xi32> to vector<1xi32>
      %squeeze3A_247 = vector.extract %slice3A_246[0] : i32 from vector<1xi32>
      %slice3A_248 = vector.extract_strided_slice %get3A_224 {offsets = [1], sizes = [1], strides = [1]} : vector<16xi32> to vector<1xi32>
      %squeeze3A_249 = vector.extract %slice3A_248[0] : i32 from vector<1xi32>
      %add3A_250 = arith.constant 1 : i32
      %add3A_251 = arith.addi %mul3A_219, %add3A_250 : i32
      %dma_start3A_252 = arith.constant 0 : i32
      %dma_start3A_253 = tpu.memref_slice %arg10[%add3A_251, %dma_start3A_252] : memref<256x32xf32, #tpu.memory_space<vmem>> -> memref<1x32xf32, #tpu.memory_space<vmem>>
      %dma_start3A_254 = arith.constant 0 : i32
      %dma_start3A_255 = tpu.memref_slice %arg4[%squeeze3A_247, %dma_start3A_254] : memref<1000000x32xf32, #tpu.memory_space<hbm>> -> memref<1x32xf32, #tpu.memory_space<hbm>>
      %dma_start3A_256 = arith.constant 0 : i32
      %dma_start3A_257 = tpu.memref_slice %arg10[%add3A_251, %dma_start3A_256] : memref<256x32xf32, #tpu.memory_space<vmem>> -> memref<1x32xf32, #tpu.memory_space<vmem>>
      %dma_start3A_258 = arith.constant 0 : i32
      %dma_start3A_259 = tpu.memref_slice %arg4[%squeeze3A_247, %dma_start3A_258] : memref<1000000x32xf32, #tpu.memory_space<hbm>> -> memref<1x32xf32, #tpu.memory_space<hbm>>
      tpu.enqueue_dma source(%dma_start3A_259 : memref<1x32xf32, #tpu.memory_space<hbm>>) target(%dma_start3A_257 : memref<1x32xf32, #tpu.memory_space<vmem>>) target_semaphore(%arg14 : memref<!tpu.dma_semaphore, #tpu.memory_space<semaphore_mem>>)
      %add3A_260 = arith.constant 1 : i32
      %add3A_261 = arith.addi %mul3A_219, %add3A_260 : i32
      %dma_start3A_262 = arith.constant 0 : i32
      %dma_start3A_263 = tpu.memref_slice %arg11[%add3A_261, %dma_start3A_262] : memref<256x32xf32, #tpu.memory_space<vmem>> -> memref<1x32xf32, #tpu.memory_space<vmem>>
      %dma_start3A_264 = arith.constant 0 : i32
      %dma_start3A_265 = tpu.memref_slice %arg5[%squeeze3A_249, %dma_start3A_264] : memref<1000000x32xf32, #tpu.memory_space<hbm>> -> memref<1x32xf32, #tpu.memory_space<hbm>>
      %dma_start3A_266 = arith.constant 0 : i32
      %dma_start3A_267 = tpu.memref_slice %arg11[%add3A_261, %dma_start3A_266] : memref<256x32xf32, #tpu.memory_space<vmem>> -> memref<1x32xf32, #tpu.memory_space<vmem>>
      %dma_start3A_268 = arith.constant 0 : i32
      %dma_start3A_269 = tpu.memref_slice %arg5[%squeeze3A_249, %dma_start3A_268] : memref<1000000x32xf32, #tpu.memory_space<hbm>> -> memref<1x32xf32, #tpu.memory_space<hbm>>
      tpu.enqueue_dma source(%dma_start3A_269 : memref<1x32xf32, #tpu.memory_space<hbm>>) target(%dma_start3A_267 : memref<1x32xf32, #tpu.memory_space<vmem>>) target_semaphore(%arg15 : memref<!tpu.dma_semaphore, #tpu.memory_space<semaphore_mem>>)
      %slice3A_270 = vector.extract_strided_slice %get3A_221 {offsets = [2], sizes = [1], strides = [1]} : vector<16xi32> to vector<1xi32>
      %squeeze3A_271 = vector.extract %slice3A_270[0] : i32 from vector<1xi32>
      %slice3A_272 = vector.extract_strided_slice %get3A_224 {offsets = [2], sizes = [1], strides = [1]} : vector<16xi32> to vector<1xi32>
      %squeeze3A_273 = vector.extract %slice3A_272[0] : i32 from vector<1xi32>
      %add3A_274 = arith.constant 2 : i32
      %add3A_275 = arith.addi %mul3A_219, %add3A_274 : i32
      %dma_start3A_276 = arith.constant 0 : i32
      %dma_start3A_277 = tpu.memref_slice %arg10[%add3A_275, %dma_start3A_276] : memref<256x32xf32, #tpu.memory_space<vmem>> -> memref<1x32xf32, #tpu.memory_space<vmem>>
      %dma_start3A_278 = arith.constant 0 : i32
      %dma_start3A_279 = tpu.memref_slice %arg4[%squeeze3A_271, %dma_start3A_278] : memref<1000000x32xf32, #tpu.memory_space<hbm>> -> memref<1x32xf32, #tpu.memory_space<hbm>>
      %dma_start3A_280 = arith.constant 0 : i32
      %dma_start3A_281 = tpu.memref_slice %arg10[%add3A_275, %dma_start3A_280] : memref<256x32xf32, #tpu.memory_space<vmem>> -> memref<1x32xf32, #tpu.memory_space<vmem>>
      %dma_start3A_282 = arith.constant 0 : i32
      %dma_start3A_283 = tpu.memref_slice %arg4[%squeeze3A_271, %dma_start3A_282] : memref<1000000x32xf32, #tpu.memory_space<hbm>> -> memref<1x32xf32, #tpu.memory_space<hbm>>
      tpu.enqueue_dma source(%dma_start3A_283 : memref<1x32xf32, #tpu.memory_space<hbm>>) target(%dma_start3A_281 : memref<1x32xf32, #tpu.memory_space<vmem>>) target_semaphore(%arg16 : memref<!tpu.dma_semaphore, #tpu.memory_space<semaphore_mem>>)
      %add3A_284 = arith.constant 2 : i32
      %add3A_285 = arith.addi %mul3A_219, %add3A_284 : i32
      %dma_start3A_286 = arith.constant 0 : i32
      %dma_start3A_287 = tpu.memref_slice %arg11[%add3A_285, %dma_start3A_286] : memref<256x32xf32, #tpu.memory_space<vmem>> -> memref<1x32xf32, #tpu.memory_space<vmem>>
      %dma_start3A_288 = arith.constant 0 : i32
      %dma_start3A_289 = tpu.memref_slice %arg5[%squeeze3A_273, %dma_start3A_288] : memref<1000000x32xf32, #tpu.memory_space<hbm>> -> memref<1x32xf32, #tpu.memory_space<hbm>>
      %dma_start3A_290 = arith.constant 0 : i32
      %dma_start3A_291 = tpu.memref_slice %arg11[%add3A_285, %dma_start3A_290] : memref<256x32xf32, #tpu.memory_space<vmem>> -> memref<1x32xf32, #tpu.memory_space<vmem>>
      %dma_start3A_292 = arith.constant 0 : i32
      %dma_start3A_293 = tpu.memref_slice %arg5[%squeeze3A_273, %dma_start3A_292] : memref<1000000x32xf32, #tpu.memory_space<hbm>> -> memref<1x32xf32, #tpu.memory_space<hbm>>
      tpu.enqueue_dma source(%dma_start3A_293 : memref<1x32xf32, #tpu.memory_space<hbm>>) target(%dma_start3A_291 : memref<1x32xf32, #tpu.memory_space<vmem>>) target_semaphore(%arg17 : memref<!tpu.dma_semaphore, #tpu.memory_space<semaphore_mem>>)
      %slice3A_294 = vector.extract_strided_slice %get3A_221 {offsets = [3], sizes = [1], strides = [1]} : vector<16xi32> to vector<1xi32>
      %squeeze3A_295 = vector.extract %slice3A_294[0] : i32 from vector<1xi32>
      %slice3A_296 = vector.extract_strided_slice %get3A_224 {offsets = [3], sizes = [1], strides = [1]} : vector<16xi32> to vector<1xi32>
      %squeeze3A_297 = vector.extract %slice3A_296[0] : i32 from vector<1xi32>
      %add3A_298 = arith.constant 3 : i32
      %add3A_299 = arith.addi %mul3A_219, %add3A_298 : i32
      %dma_start3A_300 = arith.constant 0 : i32
      %dma_start3A_301 = tpu.memref_slice %arg10[%add3A_299, %dma_start3A_300] : memref<256x32xf32, #tpu.memory_space<vmem>> -> memref<1x32xf32, #tpu.memory_space<vmem>>
      %dma_start3A_302 = arith.constant 0 : i32
      %dma_start3A_303 = tpu.memref_slice %arg4[%squeeze3A_295, %dma_start3A_302] : memref<1000000x32xf32, #tpu.memory_space<hbm>> -> memref<1x32xf32, #tpu.memory_space<hbm>>
      %dma_start3A_304 = arith.constant 0 : i32
      %dma_start3A_305 = tpu.memref_slice %arg10[%add3A_299, %dma_start3A_304] : memref<256x32xf32, #tpu.memory_space<vmem>> -> memref<1x32xf32, #tpu.memory_space<vmem>>
      %dma_start3A_306 = arith.constant 0 : i32
      %dma_start3A_307 = tpu.memref_slice %arg4[%squeeze3A_295, %dma_start3A_306] : memref<1000000x32xf32, #tpu.memory_space<hbm>> -> memref<1x32xf32, #tpu.memory_space<hbm>>
      tpu.enqueue_dma source(%dma_start3A_307 : memref<1x32xf32, #tpu.memory_space<hbm>>) target(%dma_start3A_305 : memref<1x32xf32, #tpu.memory_space<vmem>>) target_semaphore(%arg18 : memref<!tpu.dma_semaphore, #tpu.memory_space<semaphore_mem>>)
      %add3A_308 = arith.constant 3 : i32
      %add3A_309 = arith.addi %mul3A_219, %add3A_308 : i32
      %dma_start3A_310 = arith.constant 0 : i32
      %dma_start3A_311 = tpu.memref_slice %arg11[%add3A_309, %dma_start3A_310] : memref<256x32xf32, #tpu.memory_space<vmem>> -> memref<1x32xf32, #tpu.memory_space<vmem>>
      %dma_start3A_312 = arith.constant 0 : i32
      %dma_start3A_313 = tpu.memref_slice %arg5[%squeeze3A_297, %dma_start3A_312] : memref<1000000x32xf32, #tpu.memory_space<hbm>> -> memref<1x32xf32, #tpu.memory_space<hbm>>
      %dma_start3A_314 = arith.constant 0 : i32
      %dma_start3A_315 = tpu.memref_slice %arg11[%add3A_309, %dma_start3A_314] : memref<256x32xf32, #tpu.memory_space<vmem>> -> memref<1x32xf32, #tpu.memory_space<vmem>>
      %dma_start3A_316 = arith.constant 0 : i32
      %dma_start3A_317 = tpu.memref_slice %arg5[%squeeze3A_297, %dma_start3A_316] : memref<1000000x32xf32, #tpu.memory_space<hbm>> -> memref<1x32xf32, #tpu.memory_space<hbm>>
      tpu.enqueue_dma source(%dma_start3A_317 : memref<1x32xf32, #tpu.memory_space<hbm>>) target(%dma_start3A_315 : memref<1x32xf32, #tpu.memory_space<vmem>>) target_semaphore(%arg19 : memref<!tpu.dma_semaphore, #tpu.memory_space<semaphore_mem>>)
      %slice3A_318 = vector.extract_strided_slice %get3A_221 {offsets = [4], sizes = [1], strides = [1]} : vector<16xi32> to vector<1xi32>
      %squeeze3A_319 = vector.extract %slice3A_318[0] : i32 from vector<1xi32>
      %slice3A_320 = vector.extract_strided_slice %get3A_224 {offsets = [4], sizes = [1], strides = [1]} : vector<16xi32> to vector<1xi32>
      %squeeze3A_321 = vector.extract %slice3A_320[0] : i32 from vector<1xi32>
      %add3A_322 = arith.constant 4 : i32
      %add3A_323 = arith.addi %mul3A_219, %add3A_322 : i32
      %dma_start3A_324 = arith.constant 0 : i32
      %dma_start3A_325 = tpu.memref_slice %arg10[%add3A_323, %dma_start3A_324] : memref<256x32xf32, #tpu.memory_space<vmem>> -> memref<1x32xf32, #tpu.memory_space<vmem>>
      %dma_start3A_326 = arith.constant 0 : i32
      %dma_start3A_327 = tpu.memref_slice %arg4[%squeeze3A_319, %dma_start3A_326] : memref<1000000x32xf32, #tpu.memory_space<hbm>> -> memref<1x32xf32, #tpu.memory_space<hbm>>
      %dma_start3A_328 = arith.constant 0 : i32
      %dma_start3A_329 = tpu.memref_slice %arg10[%add3A_323, %dma_start3A_328] : memref<256x32xf32, #tpu.memory_space<vmem>> -> memref<1x32xf32, #tpu.memory_space<vmem>>
      %dma_start3A_330 = arith.constant 0 : i32
      %dma_start3A_331 = tpu.memref_slice %arg4[%squeeze3A_319, %dma_start3A_330] : memref<1000000x32xf32, #tpu.memory_space<hbm>> -> memref<1x32xf32, #tpu.memory_space<hbm>>
      tpu.enqueue_dma source(%dma_start3A_331 : memref<1x32xf32, #tpu.memory_space<hbm>>) target(%dma_start3A_329 : memref<1x32xf32, #tpu.memory_space<vmem>>) target_semaphore(%arg12 : memref<!tpu.dma_semaphore, #tpu.memory_space<semaphore_mem>>)
      %add3A_332 = arith.constant 4 : i32
      %add3A_333 = arith.addi %mul3A_219, %add3A_332 : i32
      %dma_start3A_334 = arith.constant 0 : i32
      %dma_start3A_335 = tpu.memref_slice %arg11[%add3A_333, %dma_start3A_334] : memref<256x32xf32, #tpu.memory_space<vmem>> -> memref<1x32xf32, #tpu.memory_space<vmem>>
      %dma_start3A_336 = arith.constant 0 : i32
      %dma_start3A_337 = tpu.memref_slice %arg5[%squeeze3A_321, %dma_start3A_336] : memref<1000000x32xf32, #tpu.memory_space<hbm>> -> memref<1x32xf32, #tpu.memory_space<hbm>>
      %dma_start3A_338 = arith.constant 0 : i32
      %dma_start3A_339 = tpu.memref_slice %arg11[%add3A_333, %dma_start3A_338] : memref<256x32xf32, #tpu.memory_space<vmem>> -> memref<1x32xf32, #tpu.memory_space<vmem>>
      %dma_start3A_340 = arith.constant 0 : i32
      %dma_start3A_341 = tpu.memref_slice %arg5[%squeeze3A_321, %dma_start3A_340] : memref<1000000x32xf32, #tpu.memory_space<hbm>> -> memref<1x32xf32, #tpu.memory_space<hbm>>
      tpu.enqueue_dma source(%dma_start3A_341 : memref<1x32xf32, #tpu.memory_space<hbm>>) target(%dma_start3A_339 : memref<1x32xf32, #tpu.memory_space<vmem>>) target_semaphore(%arg13 : memref<!tpu.dma_semaphore, #tpu.memory_space<semaphore_mem>>)
      %slice3A_342 = vector.extract_strided_slice %get3A_221 {offsets = [5], sizes = [1], strides = [1]} : vector<16xi32> to vector<1xi32>
      %squeeze3A_343 = vector.extract %slice3A_342[0] : i32 from vector<1xi32>
      %slice3A_344 = vector.extract_strided_slice %get3A_224 {offsets = [5], sizes = [1], strides = [1]} : vector<16xi32> to vector<1xi32>
      %squeeze3A_345 = vector.extract %slice3A_344[0] : i32 from vector<1xi32>
      %add3A_346 = arith.constant 5 : i32
      %add3A_347 = arith.addi %mul3A_219, %add3A_346 : i32
      %dma_start3A_348 = arith.constant 0 : i32
      %dma_start3A_349 = tpu.memref_slice %arg10[%add3A_347, %dma_start3A_348] : memref<256x32xf32, #tpu.memory_space<vmem>> -> memref<1x32xf32, #tpu.memory_space<vmem>>
      %dma_start3A_350 = arith.constant 0 : i32
      %dma_start3A_351 = tpu.memref_slice %arg4[%squeeze3A_343, %dma_start3A_350] : memref<1000000x32xf32, #tpu.memory_space<hbm>> -> memref<1x32xf32, #tpu.memory_space<hbm>>
      %dma_start3A_352 = arith.constant 0 : i32
      %dma_start3A_353 = tpu.memref_slice %arg10[%add3A_347, %dma_start3A_352] : memref<256x32xf32, #tpu.memory_space<vmem>> -> memref<1x32xf32, #tpu.memory_space<vmem>>
      %dma_start3A_354 = arith.constant 0 : i32
      %dma_start3A_355 = tpu.memref_slice %arg4[%squeeze3A_343, %dma_start3A_354] : memref<1000000x32xf32, #tpu.memory_space<hbm>> -> memref<1x32xf32, #tpu.memory_space<hbm>>
      tpu.enqueue_dma source(%dma_start3A_355 : memref<1x32xf32, #tpu.memory_space<hbm>>) target(%dma_start3A_353 : memref<1x32xf32, #tpu.memory_space<vmem>>) target_semaphore(%arg14 : memref<!tpu.dma_semaphore, #tpu.memory_space<semaphore_mem>>)
      %add3A_356 = arith.constant 5 : i32
      %add3A_357 = arith.addi %mul3A_219, %add3A_356 : i32
      %dma_start3A_358 = arith.constant 0 : i32
      %dma_start3A_359 = tpu.memref_slice %arg11[%add3A_357, %dma_start3A_358] : memref<256x32xf32, #tpu.memory_space<vmem>> -> memref<1x32xf32, #tpu.memory_space<vmem>>
      %dma_start3A_360 = arith.constant 0 : i32
      %dma_start3A_361 = tpu.memref_slice %arg5[%squeeze3A_345, %dma_start3A_360] : memref<1000000x32xf32, #tpu.memory_space<hbm>> -> memref<1x32xf32, #tpu.memory_space<hbm>>
      %dma_start3A_362 = arith.constant 0 : i32
      %dma_start3A_363 = tpu.memref_slice %arg11[%add3A_357, %dma_start3A_362] : memref<256x32xf32, #tpu.memory_space<vmem>> -> memref<1x32xf32, #tpu.memory_space<vmem>>
      %dma_start3A_364 = arith.constant 0 : i32
      %dma_start3A_365 = tpu.memref_slice %arg5[%squeeze3A_345, %dma_start3A_364] : memref<1000000x32xf32, #tpu.memory_space<hbm>> -> memref<1x32xf32, #tpu.memory_space<hbm>>
      tpu.enqueue_dma source(%dma_start3A_365 : memref<1x32xf32, #tpu.memory_space<hbm>>) target(%dma_start3A_363 : memref<1x32xf32, #tpu.memory_space<vmem>>) target_semaphore(%arg15 : memref<!tpu.dma_semaphore, #tpu.memory_space<semaphore_mem>>)
      %slice3A_366 = vector.extract_strided_slice %get3A_221 {offsets = [6], sizes = [1], strides = [1]} : vector<16xi32> to vector<1xi32>
      %squeeze3A_367 = vector.extract %slice3A_366[0] : i32 from vector<1xi32>
      %slice3A_368 = vector.extract_strided_slice %get3A_224 {offsets = [6], sizes = [1], strides = [1]} : vector<16xi32> to vector<1xi32>
      %squeeze3A_369 = vector.extract %slice3A_368[0] : i32 from vector<1xi32>
      %add3A_370 = arith.constant 6 : i32
      %add3A_371 = arith.addi %mul3A_219, %add3A_370 : i32
      %dma_start3A_372 = arith.constant 0 : i32
      %dma_start3A_373 = tpu.memref_slice %arg10[%add3A_371, %dma_start3A_372] : memref<256x32xf32, #tpu.memory_space<vmem>> -> memref<1x32xf32, #tpu.memory_space<vmem>>
      %dma_start3A_374 = arith.constant 0 : i32
      %dma_start3A_375 = tpu.memref_slice %arg4[%squeeze3A_367, %dma_start3A_374] : memref<1000000x32xf32, #tpu.memory_space<hbm>> -> memref<1x32xf32, #tpu.memory_space<hbm>>
      %dma_start3A_376 = arith.constant 0 : i32
      %dma_start3A_377 = tpu.memref_slice %arg10[%add3A_371, %dma_start3A_376] : memref<256x32xf32, #tpu.memory_space<vmem>> -> memref<1x32xf32, #tpu.memory_space<vmem>>
      %dma_start3A_378 = arith.constant 0 : i32
      %dma_start3A_379 = tpu.memref_slice %arg4[%squeeze3A_367, %dma_start3A_378] : memref<1000000x32xf32, #tpu.memory_space<hbm>> -> memref<1x32xf32, #tpu.memory_space<hbm>>
      tpu.enqueue_dma source(%dma_start3A_379 : memref<1x32xf32, #tpu.memory_space<hbm>>) target(%dma_start3A_377 : memref<1x32xf32, #tpu.memory_space<vmem>>) target_semaphore(%arg16 : memref<!tpu.dma_semaphore, #tpu.memory_space<semaphore_mem>>)
      %add3A_380 = arith.constant 6 : i32
      %add3A_381 = arith.addi %mul3A_219, %add3A_380 : i32
      %dma_start3A_382 = arith.constant 0 : i32
      %dma_start3A_383 = tpu.memref_slice %arg11[%add3A_381, %dma_start3A_382] : memref<256x32xf32, #tpu.memory_space<vmem>> -> memref<1x32xf32, #tpu.memory_space<vmem>>
      %dma_start3A_384 = arith.constant 0 : i32
      %dma_start3A_385 = tpu.memref_slice %arg5[%squeeze3A_369, %dma_start3A_384] : memref<1000000x32xf32, #tpu.memory_space<hbm>> -> memref<1x32xf32, #tpu.memory_space<hbm>>
      %dma_start3A_386 = arith.constant 0 : i32
      %dma_start3A_387 = tpu.memref_slice %arg11[%add3A_381, %dma_start3A_386] : memref<256x32xf32, #tpu.memory_space<vmem>> -> memref<1x32xf32, #tpu.memory_space<vmem>>
      %dma_start3A_388 = arith.constant 0 : i32
      %dma_start3A_389 = tpu.memref_slice %arg5[%squeeze3A_369, %dma_start3A_388] : memref<1000000x32xf32, #tpu.memory_space<hbm>> -> memref<1x32xf32, #tpu.memory_space<hbm>>
      tpu.enqueue_dma source(%dma_start3A_389 : memref<1x32xf32, #tpu.memory_space<hbm>>) target(%dma_start3A_387 : memref<1x32xf32, #tpu.memory_space<vmem>>) target_semaphore(%arg17 : memref<!tpu.dma_semaphore, #tpu.memory_space<semaphore_mem>>)
      %slice3A_390 = vector.extract_strided_slice %get3A_221 {offsets = [7], sizes = [1], strides = [1]} : vector<16xi32> to vector<1xi32>
      %squeeze3A_391 = vector.extract %slice3A_390[0] : i32 from vector<1xi32>
      %slice3A_392 = vector.extract_strided_slice %get3A_224 {offsets = [7], sizes = [1], strides = [1]} : vector<16xi32> to vector<1xi32>
      %squeeze3A_393 = vector.extract %slice3A_392[0] : i32 from vector<1xi32>
      %add3A_394 = arith.constant 7 : i32
      %add3A_395 = arith.addi %mul3A_219, %add3A_394 : i32
      %dma_start3A_396 = arith.constant 0 : i32
      %dma_start3A_397 = tpu.memref_slice %arg10[%add3A_395, %dma_start3A_396] : memref<256x32xf32, #tpu.memory_space<vmem>> -> memref<1x32xf32, #tpu.memory_space<vmem>>
      %dma_start3A_398 = arith.constant 0 : i32
      %dma_start3A_399 = tpu.memref_slice %arg4[%squeeze3A_391, %dma_start3A_398] : memref<1000000x32xf32, #tpu.memory_space<hbm>> -> memref<1x32xf32, #tpu.memory_space<hbm>>
      %dma_start3A_400 = arith.constant 0 : i32
      %dma_start3A_401 = tpu.memref_slice %arg10[%add3A_395, %dma_start3A_400] : memref<256x32xf32, #tpu.memory_space<vmem>> -> memref<1x32xf32, #tpu.memory_space<vmem>>
      %dma_start3A_402 = arith.constant 0 : i32
      %dma_start3A_403 = tpu.memref_slice %arg4[%squeeze3A_391, %dma_start3A_402] : memref<1000000x32xf32, #tpu.memory_space<hbm>> -> memref<1x32xf32, #tpu.memory_space<hbm>>
      tpu.enqueue_dma source(%dma_start3A_403 : memref<1x32xf32, #tpu.memory_space<hbm>>) target(%dma_start3A_401 : memref<1x32xf32, #tpu.memory_space<vmem>>) target_semaphore(%arg18 : memref<!tpu.dma_semaphore, #tpu.memory_space<semaphore_mem>>)
      %add3A_404 = arith.constant 7 : i32
      %add3A_405 = arith.addi %mul3A_219, %add3A_404 : i32
      %dma_start3A_406 = arith.constant 0 : i32
      %dma_start3A_407 = tpu.memref_slice %arg11[%add3A_405, %dma_start3A_406] : memref<256x32xf32, #tpu.memory_space<vmem>> -> memref<1x32xf32, #tpu.memory_space<vmem>>
      %dma_start3A_408 = arith.constant 0 : i32
      %dma_start3A_409 = tpu.memref_slice %arg5[%squeeze3A_393, %dma_start3A_408] : memref<1000000x32xf32, #tpu.memory_space<hbm>> -> memref<1x32xf32, #tpu.memory_space<hbm>>
      %dma_start3A_410 = arith.constant 0 : i32
      %dma_start3A_411 = tpu.memref_slice %arg11[%add3A_405, %dma_start3A_410] : memref<256x32xf32, #tpu.memory_space<vmem>> -> memref<1x32xf32, #tpu.memory_space<vmem>>
      %dma_start3A_412 = arith.constant 0 : i32
      %dma_start3A_413 = tpu.memref_slice %arg5[%squeeze3A_393, %dma_start3A_412] : memref<1000000x32xf32, #tpu.memory_space<hbm>> -> memref<1x32xf32, #tpu.memory_space<hbm>>
      tpu.enqueue_dma source(%dma_start3A_413 : memref<1x32xf32, #tpu.memory_space<hbm>>) target(%dma_start3A_411 : memref<1x32xf32, #tpu.memory_space<vmem>>) target_semaphore(%arg19 : memref<!tpu.dma_semaphore, #tpu.memory_space<semaphore_mem>>)
      %slice3A_414 = vector.extract_strided_slice %get3A_221 {offsets = [8], sizes = [1], strides = [1]} : vector<16xi32> to vector<1xi32>
      %squeeze3A_415 = vector.extract %slice3A_414[0] : i32 from vector<1xi32>
      %slice3A_416 = vector.extract_strided_slice %get3A_224 {offsets = [8], sizes = [1], strides = [1]} : vector<16xi32> to vector<1xi32>
      %squeeze3A_417 = vector.extract %slice3A_416[0] : i32 from vector<1xi32>
      %add3A_418 = arith.constant 8 : i32
      %add3A_419 = arith.addi %mul3A_219, %add3A_418 : i32
      %dma_start3A_420 = arith.constant 0 : i32
      %dma_start3A_421 = tpu.memref_slice %arg10[%add3A_419, %dma_start3A_420] : memref<256x32xf32, #tpu.memory_space<vmem>> -> memref<1x32xf32, #tpu.memory_space<vmem>>
      %dma_start3A_422 = arith.constant 0 : i32
      %dma_start3A_423 = tpu.memref_slice %arg4[%squeeze3A_415, %dma_start3A_422] : memref<1000000x32xf32, #tpu.memory_space<hbm>> -> memref<1x32xf32, #tpu.memory_space<hbm>>
      %dma_start3A_424 = arith.constant 0 : i32
      %dma_start3A_425 = tpu.memref_slice %arg10[%add3A_419, %dma_start3A_424] : memref<256x32xf32, #tpu.memory_space<vmem>> -> memref<1x32xf32, #tpu.memory_space<vmem>>
      %dma_start3A_426 = arith.constant 0 : i32
      %dma_start3A_427 = tpu.memref_slice %arg4[%squeeze3A_415, %dma_start3A_426] : memref<1000000x32xf32, #tpu.memory_space<hbm>> -> memref<1x32xf32, #tpu.memory_space<hbm>>
      tpu.enqueue_dma source(%dma_start3A_427 : memref<1x32xf32, #tpu.memory_space<hbm>>) target(%dma_start3A_425 : memref<1x32xf32, #tpu.memory_space<vmem>>) target_semaphore(%arg12 : memref<!tpu.dma_semaphore, #tpu.memory_space<semaphore_mem>>)
      %add3A_428 = arith.constant 8 : i32
      %add3A_429 = arith.addi %mul3A_219, %add3A_428 : i32
      %dma_start3A_430 = arith.constant 0 : i32
      %dma_start3A_431 = tpu.memref_slice %arg11[%add3A_429, %dma_start3A_430] : memref<256x32xf32, #tpu.memory_space<vmem>> -> memref<1x32xf32, #tpu.memory_space<vmem>>
      %dma_start3A_432 = arith.constant 0 : i32
      %dma_start3A_433 = tpu.memref_slice %arg5[%squeeze3A_417, %dma_start3A_432] : memref<1000000x32xf32, #tpu.memory_space<hbm>> -> memref<1x32xf32, #tpu.memory_space<hbm>>
      %dma_start3A_434 = arith.constant 0 : i32
      %dma_start3A_435 = tpu.memref_slice %arg11[%add3A_429, %dma_start3A_434] : memref<256x32xf32, #tpu.memory_space<vmem>> -> memref<1x32xf32, #tpu.memory_space<vmem>>
      %dma_start3A_436 = arith.constant 0 : i32
      %dma_start3A_437 = tpu.memref_slice %arg5[%squeeze3A_417, %dma_start3A_436] : memref<1000000x32xf32, #tpu.memory_space<hbm>> -> memref<1x32xf32, #tpu.memory_space<hbm>>
      tpu.enqueue_dma source(%dma_start3A_437 : memref<1x32xf32, #tpu.memory_space<hbm>>) target(%dma_start3A_435 : memref<1x32xf32, #tpu.memory_space<vmem>>) target_semaphore(%arg13 : memref<!tpu.dma_semaphore, #tpu.memory_space<semaphore_mem>>)
      %slice3A_438 = vector.extract_strided_slice %get3A_221 {offsets = [9], sizes = [1], strides = [1]} : vector<16xi32> to vector<1xi32>
      %squeeze3A_439 = vector.extract %slice3A_438[0] : i32 from vector<1xi32>
      %slice3A_440 = vector.extract_strided_slice %get3A_224 {offsets = [9], sizes = [1], strides = [1]} : vector<16xi32> to vector<1xi32>
      %squeeze3A_441 = vector.extract %slice3A_440[0] : i32 from vector<1xi32>
      %add3A_442 = arith.constant 9 : i32
      %add3A_443 = arith.addi %mul3A_219, %add3A_442 : i32
      %dma_start3A_444 = arith.constant 0 : i32
      %dma_start3A_445 = tpu.memref_slice %arg10[%add3A_443, %dma_start3A_444] : memref<256x32xf32, #tpu.memory_space<vmem>> -> memref<1x32xf32, #tpu.memory_space<vmem>>
      %dma_start3A_446 = arith.constant 0 : i32
      %dma_start3A_447 = tpu.memref_slice %arg4[%squeeze3A_439, %dma_start3A_446] : memref<1000000x32xf32, #tpu.memory_space<hbm>> -> memref<1x32xf32, #tpu.memory_space<hbm>>
      %dma_start3A_448 = arith.constant 0 : i32
      %dma_start3A_449 = tpu.memref_slice %arg10[%add3A_443, %dma_start3A_448] : memref<256x32xf32, #tpu.memory_space<vmem>> -> memref<1x32xf32, #tpu.memory_space<vmem>>
      %dma_start3A_450 = arith.constant 0 : i32
      %dma_start3A_451 = tpu.memref_slice %arg4[%squeeze3A_439, %dma_start3A_450] : memref<1000000x32xf32, #tpu.memory_space<hbm>> -> memref<1x32xf32, #tpu.memory_space<hbm>>
      tpu.enqueue_dma source(%dma_start3A_451 : memref<1x32xf32, #tpu.memory_space<hbm>>) target(%dma_start3A_449 : memref<1x32xf32, #tpu.memory_space<vmem>>) target_semaphore(%arg14 : memref<!tpu.dma_semaphore, #tpu.memory_space<semaphore_mem>>)
      %add3A_452 = arith.constant 9 : i32
      %add3A_453 = arith.addi %mul3A_219, %add3A_452 : i32
      %dma_start3A_454 = arith.constant 0 : i32
      %dma_start3A_455 = tpu.memref_slice %arg11[%add3A_453, %dma_start3A_454] : memref<256x32xf32, #tpu.memory_space<vmem>> -> memref<1x32xf32, #tpu.memory_space<vmem>>
      %dma_start3A_456 = arith.constant 0 : i32
      %dma_start3A_457 = tpu.memref_slice %arg5[%squeeze3A_441, %dma_start3A_456] : memref<1000000x32xf32, #tpu.memory_space<hbm>> -> memref<1x32xf32, #tpu.memory_space<hbm>>
      %dma_start3A_458 = arith.constant 0 : i32
      %dma_start3A_459 = tpu.memref_slice %arg11[%add3A_453, %dma_start3A_458] : memref<256x32xf32, #tpu.memory_space<vmem>> -> memref<1x32xf32, #tpu.memory_space<vmem>>
      %dma_start3A_460 = arith.constant 0 : i32
      %dma_start3A_461 = tpu.memref_slice %arg5[%squeeze3A_441, %dma_start3A_460] : memref<1000000x32xf32, #tpu.memory_space<hbm>> -> memref<1x32xf32, #tpu.memory_space<hbm>>
      tpu.enqueue_dma source(%dma_start3A_461 : memref<1x32xf32, #tpu.memory_space<hbm>>) target(%dma_start3A_459 : memref<1x32xf32, #tpu.memory_space<vmem>>) target_semaphore(%arg15 : memref<!tpu.dma_semaphore, #tpu.memory_space<semaphore_mem>>)
      %slice3A_462 = vector.extract_strided_slice %get3A_221 {offsets = [10], sizes = [1], strides = [1]} : vector<16xi32> to vector<1xi32>
      %squeeze3A_463 = vector.extract %slice3A_462[0] : i32 from vector<1xi32>
      %slice3A_464 = vector.extract_strided_slice %get3A_224 {offsets = [10], sizes = [1], strides = [1]} : vector<16xi32> to vector<1xi32>
      %squeeze3A_465 = vector.extract %slice3A_464[0] : i32 from vector<1xi32>
      %add3A_466 = arith.constant 10 : i32
      %add3A_467 = arith.addi %mul3A_219, %add3A_466 : i32
      %dma_start3A_468 = arith.constant 0 : i32
      %dma_start3A_469 = tpu.memref_slice %arg10[%add3A_467, %dma_start3A_468] : memref<256x32xf32, #tpu.memory_space<vmem>> -> memref<1x32xf32, #tpu.memory_space<vmem>>
      %dma_start3A_470 = arith.constant 0 : i32
      %dma_start3A_471 = tpu.memref_slice %arg4[%squeeze3A_463, %dma_start3A_470] : memref<1000000x32xf32, #tpu.memory_space<hbm>> -> memref<1x32xf32, #tpu.memory_space<hbm>>
      %dma_start3A_472 = arith.constant 0 : i32
      %dma_start3A_473 = tpu.memref_slice %arg10[%add3A_467, %dma_start3A_472] : memref<256x32xf32, #tpu.memory_space<vmem>> -> memref<1x32xf32, #tpu.memory_space<vmem>>
      %dma_start3A_474 = arith.constant 0 : i32
      %dma_start3A_475 = tpu.memref_slice %arg4[%squeeze3A_463, %dma_start3A_474] : memref<1000000x32xf32, #tpu.memory_space<hbm>> -> memref<1x32xf32, #tpu.memory_space<hbm>>
      tpu.enqueue_dma source(%dma_start3A_475 : memref<1x32xf32, #tpu.memory_space<hbm>>) target(%dma_start3A_473 : memref<1x32xf32, #tpu.memory_space<vmem>>) target_semaphore(%arg16 : memref<!tpu.dma_semaphore, #tpu.memory_space<semaphore_mem>>)
      %add3A_476 = arith.constant 10 : i32
      %add3A_477 = arith.addi %mul3A_219, %add3A_476 : i32
      %dma_start3A_478 = arith.constant 0 : i32
      %dma_start3A_479 = tpu.memref_slice %arg11[%add3A_477, %dma_start3A_478] : memref<256x32xf32, #tpu.memory_space<vmem>> -> memref<1x32xf32, #tpu.memory_space<vmem>>
      %dma_start3A_480 = arith.constant 0 : i32
      %dma_start3A_481 = tpu.memref_slice %arg5[%squeeze3A_465, %dma_start3A_480] : memref<1000000x32xf32, #tpu.memory_space<hbm>> -> memref<1x32xf32, #tpu.memory_space<hbm>>
      %dma_start3A_482 = arith.constant 0 : i32
      %dma_start3A_483 = tpu.memref_slice %arg11[%add3A_477, %dma_start3A_482] : memref<256x32xf32, #tpu.memory_space<vmem>> -> memref<1x32xf32, #tpu.memory_space<vmem>>
      %dma_start3A_484 = arith.constant 0 : i32
      %dma_start3A_485 = tpu.memref_slice %arg5[%squeeze3A_465, %dma_start3A_484] : memref<1000000x32xf32, #tpu.memory_space<hbm>> -> memref<1x32xf32, #tpu.memory_space<hbm>>
      tpu.enqueue_dma source(%dma_start3A_485 : memref<1x32xf32, #tpu.memory_space<hbm>>) target(%dma_start3A_483 : memref<1x32xf32, #tpu.memory_space<vmem>>) target_semaphore(%arg17 : memref<!tpu.dma_semaphore, #tpu.memory_space<semaphore_mem>>)
      %slice3A_486 = vector.extract_strided_slice %get3A_221 {offsets = [11], sizes = [1], strides = [1]} : vector<16xi32> to vector<1xi32>
      %squeeze3A_487 = vector.extract %slice3A_486[0] : i32 from vector<1xi32>
      %slice3A_488 = vector.extract_strided_slice %get3A_224 {offsets = [11], sizes = [1], strides = [1]} : vector<16xi32> to vector<1xi32>
      %squeeze3A_489 = vector.extract %slice3A_488[0] : i32 from vector<1xi32>
      %add3A_490 = arith.constant 11 : i32
      %add3A_491 = arith.addi %mul3A_219, %add3A_490 : i32
      %dma_start3A_492 = arith.constant 0 : i32
      %dma_start3A_493 = tpu.memref_slice %arg10[%add3A_491, %dma_start3A_492] : memref<256x32xf32, #tpu.memory_space<vmem>> -> memref<1x32xf32, #tpu.memory_space<vmem>>
      %dma_start3A_494 = arith.constant 0 : i32
      %dma_start3A_495 = tpu.memref_slice %arg4[%squeeze3A_487, %dma_start3A_494] : memref<1000000x32xf32, #tpu.memory_space<hbm>> -> memref<1x32xf32, #tpu.memory_space<hbm>>
      %dma_start3A_496 = arith.constant 0 : i32
      %dma_start3A_497 = tpu.memref_slice %arg10[%add3A_491, %dma_start3A_496] : memref<256x32xf32, #tpu.memory_space<vmem>> -> memref<1x32xf32, #tpu.memory_space<vmem>>
      %dma_start3A_498 = arith.constant 0 : i32
      %dma_start3A_499 = tpu.memref_slice %arg4[%squeeze3A_487, %dma_start3A_498] : memref<1000000x32xf32, #tpu.memory_space<hbm>> -> memref<1x32xf32, #tpu.memory_space<hbm>>
      tpu.enqueue_dma source(%dma_start3A_499 : memref<1x32xf32, #tpu.memory_space<hbm>>) target(%dma_start3A_497 : memref<1x32xf32, #tpu.memory_space<vmem>>) target_semaphore(%arg18 : memref<!tpu.dma_semaphore, #tpu.memory_space<semaphore_mem>>)
      %add3A_500 = arith.constant 11 : i32
      %add3A_501 = arith.addi %mul3A_219, %add3A_500 : i32
      %dma_start3A_502 = arith.constant 0 : i32
      %dma_start3A_503 = tpu.memref_slice %arg11[%add3A_501, %dma_start3A_502] : memref<256x32xf32, #tpu.memory_space<vmem>> -> memref<1x32xf32, #tpu.memory_space<vmem>>
      %dma_start3A_504 = arith.constant 0 : i32
      %dma_start3A_505 = tpu.memref_slice %arg5[%squeeze3A_489, %dma_start3A_504] : memref<1000000x32xf32, #tpu.memory_space<hbm>> -> memref<1x32xf32, #tpu.memory_space<hbm>>
      %dma_start3A_506 = arith.constant 0 : i32
      %dma_start3A_507 = tpu.memref_slice %arg11[%add3A_501, %dma_start3A_506] : memref<256x32xf32, #tpu.memory_space<vmem>> -> memref<1x32xf32, #tpu.memory_space<vmem>>
      %dma_start3A_508 = arith.constant 0 : i32
      %dma_start3A_509 = tpu.memref_slice %arg5[%squeeze3A_489, %dma_start3A_508] : memref<1000000x32xf32, #tpu.memory_space<hbm>> -> memref<1x32xf32, #tpu.memory_space<hbm>>
      tpu.enqueue_dma source(%dma_start3A_509 : memref<1x32xf32, #tpu.memory_space<hbm>>) target(%dma_start3A_507 : memref<1x32xf32, #tpu.memory_space<vmem>>) target_semaphore(%arg19 : memref<!tpu.dma_semaphore, #tpu.memory_space<semaphore_mem>>)
      %slice3A_510 = vector.extract_strided_slice %get3A_221 {offsets = [12], sizes = [1], strides = [1]} : vector<16xi32> to vector<1xi32>
      %squeeze3A_511 = vector.extract %slice3A_510[0] : i32 from vector<1xi32>
      %slice3A_512 = vector.extract_strided_slice %get3A_224 {offsets = [12], sizes = [1], strides = [1]} : vector<16xi32> to vector<1xi32>
      %squeeze3A_513 = vector.extract %slice3A_512[0] : i32 from vector<1xi32>
      %add3A_514 = arith.constant 12 : i32
      %add3A_515 = arith.addi %mul3A_219, %add3A_514 : i32
      %dma_start3A_516 = arith.constant 0 : i32
      %dma_start3A_517 = tpu.memref_slice %arg10[%add3A_515, %dma_start3A_516] : memref<256x32xf32, #tpu.memory_space<vmem>> -> memref<1x32xf32, #tpu.memory_space<vmem>>
      %dma_start3A_518 = arith.constant 0 : i32
      %dma_start3A_519 = tpu.memref_slice %arg4[%squeeze3A_511, %dma_start3A_518] : memref<1000000x32xf32, #tpu.memory_space<hbm>> -> memref<1x32xf32, #tpu.memory_space<hbm>>
      %dma_start3A_520 = arith.constant 0 : i32
      %dma_start3A_521 = tpu.memref_slice %arg10[%add3A_515, %dma_start3A_520] : memref<256x32xf32, #tpu.memory_space<vmem>> -> memref<1x32xf32, #tpu.memory_space<vmem>>
      %dma_start3A_522 = arith.constant 0 : i32
      %dma_start3A_523 = tpu.memref_slice %arg4[%squeeze3A_511, %dma_start3A_522] : memref<1000000x32xf32, #tpu.memory_space<hbm>> -> memref<1x32xf32, #tpu.memory_space<hbm>>
      tpu.enqueue_dma source(%dma_start3A_523 : memref<1x32xf32, #tpu.memory_space<hbm>>) target(%dma_start3A_521 : memref<1x32xf32, #tpu.memory_space<vmem>>) target_semaphore(%arg12 : memref<!tpu.dma_semaphore, #tpu.memory_space<semaphore_mem>>)
      %add3A_524 = arith.constant 12 : i32
      %add3A_525 = arith.addi %mul3A_219, %add3A_524 : i32
      %dma_start3A_526 = arith.constant 0 : i32
      %dma_start3A_527 = tpu.memref_slice %arg11[%add3A_525, %dma_start3A_526] : memref<256x32xf32, #tpu.memory_space<vmem>> -> memref<1x32xf32, #tpu.memory_space<vmem>>
      %dma_start3A_528 = arith.constant 0 : i32
      %dma_start3A_529 = tpu.memref_slice %arg5[%squeeze3A_513, %dma_start3A_528] : memref<1000000x32xf32, #tpu.memory_space<hbm>> -> memref<1x32xf32, #tpu.memory_space<hbm>>
      %dma_start3A_530 = arith.constant 0 : i32
      %dma_start3A_531 = tpu.memref_slice %arg11[%add3A_525, %dma_start3A_530] : memref<256x32xf32, #tpu.memory_space<vmem>> -> memref<1x32xf32, #tpu.memory_space<vmem>>
      %dma_start3A_532 = arith.constant 0 : i32
      %dma_start3A_533 = tpu.memref_slice %arg5[%squeeze3A_513, %dma_start3A_532] : memref<1000000x32xf32, #tpu.memory_space<hbm>> -> memref<1x32xf32, #tpu.memory_space<hbm>>
      tpu.enqueue_dma source(%dma_start3A_533 : memref<1x32xf32, #tpu.memory_space<hbm>>) target(%dma_start3A_531 : memref<1x32xf32, #tpu.memory_space<vmem>>) target_semaphore(%arg13 : memref<!tpu.dma_semaphore, #tpu.memory_space<semaphore_mem>>)
      %slice3A_534 = vector.extract_strided_slice %get3A_221 {offsets = [13], sizes = [1], strides = [1]} : vector<16xi32> to vector<1xi32>
      %squeeze3A_535 = vector.extract %slice3A_534[0] : i32 from vector<1xi32>
      %slice3A_536 = vector.extract_strided_slice %get3A_224 {offsets = [13], sizes = [1], strides = [1]} : vector<16xi32> to vector<1xi32>
      %squeeze3A_537 = vector.extract %slice3A_536[0] : i32 from vector<1xi32>
      %add3A_538 = arith.constant 13 : i32
      %add3A_539 = arith.addi %mul3A_219, %add3A_538 : i32
      %dma_start3A_540 = arith.constant 0 : i32
      %dma_start3A_541 = tpu.memref_slice %arg10[%add3A_539, %dma_start3A_540] : memref<256x32xf32, #tpu.memory_space<vmem>> -> memref<1x32xf32, #tpu.memory_space<vmem>>
      %dma_start3A_542 = arith.constant 0 : i32
      %dma_start3A_543 = tpu.memref_slice %arg4[%squeeze3A_535, %dma_start3A_542] : memref<1000000x32xf32, #tpu.memory_space<hbm>> -> memref<1x32xf32, #tpu.memory_space<hbm>>
      %dma_start3A_544 = arith.constant 0 : i32
      %dma_start3A_545 = tpu.memref_slice %arg10[%add3A_539, %dma_start3A_544] : memref<256x32xf32, #tpu.memory_space<vmem>> -> memref<1x32xf32, #tpu.memory_space<vmem>>
      %dma_start3A_546 = arith.constant 0 : i32
      %dma_start3A_547 = tpu.memref_slice %arg4[%squeeze3A_535, %dma_start3A_546] : memref<1000000x32xf32, #tpu.memory_space<hbm>> -> memref<1x32xf32, #tpu.memory_space<hbm>>
      tpu.enqueue_dma source(%dma_start3A_547 : memref<1x32xf32, #tpu.memory_space<hbm>>) target(%dma_start3A_545 : memref<1x32xf32, #tpu.memory_space<vmem>>) target_semaphore(%arg14 : memref<!tpu.dma_semaphore, #tpu.memory_space<semaphore_mem>>)
      %add3A_548 = arith.constant 13 : i32
      %add3A_549 = arith.addi %mul3A_219, %add3A_548 : i32
      %dma_start3A_550 = arith.constant 0 : i32
      %dma_start3A_551 = tpu.memref_slice %arg11[%add3A_549, %dma_start3A_550] : memref<256x32xf32, #tpu.memory_space<vmem>> -> memref<1x32xf32, #tpu.memory_space<vmem>>
      %dma_start3A_552 = arith.constant 0 : i32
      %dma_start3A_553 = tpu.memref_slice %arg5[%squeeze3A_537, %dma_start3A_552] : memref<1000000x32xf32, #tpu.memory_space<hbm>> -> memref<1x32xf32, #tpu.memory_space<hbm>>
      %dma_start3A_554 = arith.constant 0 : i32
      %dma_start3A_555 = tpu.memref_slice %arg11[%add3A_549, %dma_start3A_554] : memref<256x32xf32, #tpu.memory_space<vmem>> -> memref<1x32xf32, #tpu.memory_space<vmem>>
      %dma_start3A_556 = arith.constant 0 : i32
      %dma_start3A_557 = tpu.memref_slice %arg5[%squeeze3A_537, %dma_start3A_556] : memref<1000000x32xf32, #tpu.memory_space<hbm>> -> memref<1x32xf32, #tpu.memory_space<hbm>>
      tpu.enqueue_dma source(%dma_start3A_557 : memref<1x32xf32, #tpu.memory_space<hbm>>) target(%dma_start3A_555 : memref<1x32xf32, #tpu.memory_space<vmem>>) target_semaphore(%arg15 : memref<!tpu.dma_semaphore, #tpu.memory_space<semaphore_mem>>)
      %slice3A_558 = vector.extract_strided_slice %get3A_221 {offsets = [14], sizes = [1], strides = [1]} : vector<16xi32> to vector<1xi32>
      %squeeze3A_559 = vector.extract %slice3A_558[0] : i32 from vector<1xi32>
      %slice3A_560 = vector.extract_strided_slice %get3A_224 {offsets = [14], sizes = [1], strides = [1]} : vector<16xi32> to vector<1xi32>
      %squeeze3A_561 = vector.extract %slice3A_560[0] : i32 from vector<1xi32>
      %add3A_562 = arith.constant 14 : i32
      %add3A_563 = arith.addi %mul3A_219, %add3A_562 : i32
      %dma_start3A_564 = arith.constant 0 : i32
      %dma_start3A_565 = tpu.memref_slice %arg10[%add3A_563, %dma_start3A_564] : memref<256x32xf32, #tpu.memory_space<vmem>> -> memref<1x32xf32, #tpu.memory_space<vmem>>
      %dma_start3A_566 = arith.constant 0 : i32
      %dma_start3A_567 = tpu.memref_slice %arg4[%squeeze3A_559, %dma_start3A_566] : memref<1000000x32xf32, #tpu.memory_space<hbm>> -> memref<1x32xf32, #tpu.memory_space<hbm>>
      %dma_start3A_568 = arith.constant 0 : i32
      %dma_start3A_569 = tpu.memref_slice %arg10[%add3A_563, %dma_start3A_568] : memref<256x32xf32, #tpu.memory_space<vmem>> -> memref<1x32xf32, #tpu.memory_space<vmem>>
      %dma_start3A_570 = arith.constant 0 : i32
      %dma_start3A_571 = tpu.memref_slice %arg4[%squeeze3A_559, %dma_start3A_570] : memref<1000000x32xf32, #tpu.memory_space<hbm>> -> memref<1x32xf32, #tpu.memory_space<hbm>>
      tpu.enqueue_dma source(%dma_start3A_571 : memref<1x32xf32, #tpu.memory_space<hbm>>) target(%dma_start3A_569 : memref<1x32xf32, #tpu.memory_space<vmem>>) target_semaphore(%arg16 : memref<!tpu.dma_semaphore, #tpu.memory_space<semaphore_mem>>)
      %add3A_572 = arith.constant 14 : i32
      %add3A_573 = arith.addi %mul3A_219, %add3A_572 : i32
      %dma_start3A_574 = arith.constant 0 : i32
      %dma_start3A_575 = tpu.memref_slice %arg11[%add3A_573, %dma_start3A_574] : memref<256x32xf32, #tpu.memory_space<vmem>> -> memref<1x32xf32, #tpu.memory_space<vmem>>
      %dma_start3A_576 = arith.constant 0 : i32
      %dma_start3A_577 = tpu.memref_slice %arg5[%squeeze3A_561, %dma_start3A_576] : memref<1000000x32xf32, #tpu.memory_space<hbm>> -> memref<1x32xf32, #tpu.memory_space<hbm>>
      %dma_start3A_578 = arith.constant 0 : i32
      %dma_start3A_579 = tpu.memref_slice %arg11[%add3A_573, %dma_start3A_578] : memref<256x32xf32, #tpu.memory_space<vmem>> -> memref<1x32xf32, #tpu.memory_space<vmem>>
      %dma_start3A_580 = arith.constant 0 : i32
      %dma_start3A_581 = tpu.memref_slice %arg5[%squeeze3A_561, %dma_start3A_580] : memref<1000000x32xf32, #tpu.memory_space<hbm>> -> memref<1x32xf32, #tpu.memory_space<hbm>>
      tpu.enqueue_dma source(%dma_start3A_581 : memref<1x32xf32, #tpu.memory_space<hbm>>) target(%dma_start3A_579 : memref<1x32xf32, #tpu.memory_space<vmem>>) target_semaphore(%arg17 : memref<!tpu.dma_semaphore, #tpu.memory_space<semaphore_mem>>)
      %slice3A_582 = vector.extract_strided_slice %get3A_221 {offsets = [15], sizes = [1], strides = [1]} : vector<16xi32> to vector<1xi32>
      %squeeze3A_583 = vector.extract %slice3A_582[0] : i32 from vector<1xi32>
      %slice3A_584 = vector.extract_strided_slice %get3A_224 {offsets = [15], sizes = [1], strides = [1]} : vector<16xi32> to vector<1xi32>
      %squeeze3A_585 = vector.extract %slice3A_584[0] : i32 from vector<1xi32>
      %add3A_586 = arith.constant 15 : i32
      %add3A_587 = arith.addi %mul3A_219, %add3A_586 : i32
      %dma_start3A_588 = arith.constant 0 : i32
      %dma_start3A_589 = tpu.memref_slice %arg10[%add3A_587, %dma_start3A_588] : memref<256x32xf32, #tpu.memory_space<vmem>> -> memref<1x32xf32, #tpu.memory_space<vmem>>
      %dma_start3A_590 = arith.constant 0 : i32
      %dma_start3A_591 = tpu.memref_slice %arg4[%squeeze3A_583, %dma_start3A_590] : memref<1000000x32xf32, #tpu.memory_space<hbm>> -> memref<1x32xf32, #tpu.memory_space<hbm>>
      %dma_start3A_592 = arith.constant 0 : i32
      %dma_start3A_593 = tpu.memref_slice %arg10[%add3A_587, %dma_start3A_592] : memref<256x32xf32, #tpu.memory_space<vmem>> -> memref<1x32xf32, #tpu.memory_space<vmem>>
      %dma_start3A_594 = arith.constant 0 : i32
      %dma_start3A_595 = tpu.memref_slice %arg4[%squeeze3A_583, %dma_start3A_594] : memref<1000000x32xf32, #tpu.memory_space<hbm>> -> memref<1x32xf32, #tpu.memory_space<hbm>>
      tpu.enqueue_dma source(%dma_start3A_595 : memref<1x32xf32, #tpu.memory_space<hbm>>) target(%dma_start3A_593 : memref<1x32xf32, #tpu.memory_space<vmem>>) target_semaphore(%arg18 : memref<!tpu.dma_semaphore, #tpu.memory_space<semaphore_mem>>)
      %add3A_596 = arith.constant 15 : i32
      %add3A_597 = arith.addi %mul3A_219, %add3A_596 : i32
      %dma_start3A_598 = arith.constant 0 : i32
      %dma_start3A_599 = tpu.memref_slice %arg11[%add3A_597, %dma_start3A_598] : memref<256x32xf32, #tpu.memory_space<vmem>> -> memref<1x32xf32, #tpu.memory_space<vmem>>
      %dma_start3A_600 = arith.constant 0 : i32
      %dma_start3A_601 = tpu.memref_slice %arg5[%squeeze3A_585, %dma_start3A_600] : memref<1000000x32xf32, #tpu.memory_space<hbm>> -> memref<1x32xf32, #tpu.memory_space<hbm>>
      %dma_start3A_602 = arith.constant 0 : i32
      %dma_start3A_603 = tpu.memref_slice %arg11[%add3A_597, %dma_start3A_602] : memref<256x32xf32, #tpu.memory_space<vmem>> -> memref<1x32xf32, #tpu.memory_space<vmem>>
      %dma_start3A_604 = arith.constant 0 : i32
      %dma_start3A_605 = tpu.memref_slice %arg5[%squeeze3A_585, %dma_start3A_604] : memref<1000000x32xf32, #tpu.memory_space<hbm>> -> memref<1x32xf32, #tpu.memory_space<hbm>>
      tpu.enqueue_dma source(%dma_start3A_605 : memref<1x32xf32, #tpu.memory_space<hbm>>) target(%dma_start3A_603 : memref<1x32xf32, #tpu.memory_space<vmem>>) target_semaphore(%arg19 : memref<!tpu.dma_semaphore, #tpu.memory_space<semaphore_mem>>)
    }
    %scan3A_112 = arith.constant 16 : i32
    %dma_wait3A_113 = arith.constant 0 : i32
    %dma_wait3A_114 = arith.constant 0 : i32
    %dma_wait3A_115 = tpu.memref_slice %arg10[%dma_wait3A_113, %dma_wait3A_114] : memref<256x32xf32, #tpu.memory_space<vmem>> -> memref<64x32xf32, #tpu.memory_space<vmem>>
    %dma_wait3A_116 = arith.constant 0 : i32
    %dma_wait3A_117 = arith.constant 0 : i32
    %dma_wait3A_118 = tpu.memref_slice %arg4[%dma_wait3A_116, %dma_wait3A_117] : memref<1000000x32xf32, #tpu.memory_space<hbm>> -> memref<64x32xf32, #tpu.memory_space<hbm>>
    %dma_wait3A_119 = arith.constant 0 : i32
    %dma_wait3A_120 = arith.constant 0 : i32
    %dma_wait3A_121 = tpu.memref_slice %arg10[%dma_wait3A_119, %dma_wait3A_120] : memref<256x32xf32, #tpu.memory_space<vmem>> -> memref<64x32xf32, #tpu.memory_space<vmem>>
    %dma_wait3A_122 = arith.constant 0 : i32
    %dma_wait3A_123 = arith.constant 0 : i32
    %dma_wait3A_124 = tpu.memref_slice %arg4[%dma_wait3A_122, %dma_wait3A_123] : memref<1000000x32xf32, #tpu.memory_space<hbm>> -> memref<64x32xf32, #tpu.memory_space<hbm>>
    tpu.wait_dma2 semaphore(%arg12 : memref<!tpu.dma_semaphore, #tpu.memory_space<semaphore_mem>>) src(%dma_wait3A_124 : memref<64x32xf32, #tpu.memory_space<hbm>>) dst(%dma_wait3A_121 : memref<64x32xf32, #tpu.memory_space<vmem>>)
    %dma_wait3A_125 = arith.constant 0 : i32
    %dma_wait3A_126 = arith.constant 0 : i32
    %dma_wait3A_127 = tpu.memref_slice %arg11[%dma_wait3A_125, %dma_wait3A_126] : memref<256x32xf32, #tpu.memory_space<vmem>> -> memref<64x32xf32, #tpu.memory_space<vmem>>
    %dma_wait3A_128 = arith.constant 0 : i32
    %dma_wait3A_129 = arith.constant 0 : i32
    %dma_wait3A_130 = tpu.memref_slice %arg5[%dma_wait3A_128, %dma_wait3A_129] : memref<1000000x32xf32, #tpu.memory_space<hbm>> -> memref<64x32xf32, #tpu.memory_space<hbm>>
    %dma_wait3A_131 = arith.constant 0 : i32
    %dma_wait3A_132 = arith.constant 0 : i32
    %dma_wait3A_133 = tpu.memref_slice %arg11[%dma_wait3A_131, %dma_wait3A_132] : memref<256x32xf32, #tpu.memory_space<vmem>> -> memref<64x32xf32, #tpu.memory_space<vmem>>
    %dma_wait3A_134 = arith.constant 0 : i32
    %dma_wait3A_135 = arith.constant 0 : i32
    %dma_wait3A_136 = tpu.memref_slice %arg5[%dma_wait3A_134, %dma_wait3A_135] : memref<1000000x32xf32, #tpu.memory_space<hbm>> -> memref<64x32xf32, #tpu.memory_space<hbm>>
    tpu.wait_dma2 semaphore(%arg13 : memref<!tpu.dma_semaphore, #tpu.memory_space<semaphore_mem>>) src(%dma_wait3A_136 : memref<64x32xf32, #tpu.memory_space<hbm>>) dst(%dma_wait3A_133 : memref<64x32xf32, #tpu.memory_space<vmem>>)
    %dma_wait3A_137 = arith.constant 0 : i32
    %dma_wait3A_138 = arith.constant 0 : i32
    %dma_wait3A_139 = tpu.memref_slice %arg10[%dma_wait3A_137, %dma_wait3A_138] : memref<256x32xf32, #tpu.memory_space<vmem>> -> memref<64x32xf32, #tpu.memory_space<vmem>>
    %dma_wait3A_140 = arith.constant 0 : i32
    %dma_wait3A_141 = arith.constant 0 : i32
    %dma_wait3A_142 = tpu.memref_slice %arg4[%dma_wait3A_140, %dma_wait3A_141] : memref<1000000x32xf32, #tpu.memory_space<hbm>> -> memref<64x32xf32, #tpu.memory_space<hbm>>
    %dma_wait3A_143 = arith.constant 0 : i32
    %dma_wait3A_144 = arith.constant 0 : i32
    %dma_wait3A_145 = tpu.memref_slice %arg10[%dma_wait3A_143, %dma_wait3A_144] : memref<256x32xf32, #tpu.memory_space<vmem>> -> memref<64x32xf32, #tpu.memory_space<vmem>>
    %dma_wait3A_146 = arith.constant 0 : i32
    %dma_wait3A_147 = arith.constant 0 : i32
    %dma_wait3A_148 = tpu.memref_slice %arg4[%dma_wait3A_146, %dma_wait3A_147] : memref<1000000x32xf32, #tpu.memory_space<hbm>> -> memref<64x32xf32, #tpu.memory_space<hbm>>
    tpu.wait_dma2 semaphore(%arg14 : memref<!tpu.dma_semaphore, #tpu.memory_space<semaphore_mem>>) src(%dma_wait3A_148 : memref<64x32xf32, #tpu.memory_space<hbm>>) dst(%dma_wait3A_145 : memref<64x32xf32, #tpu.memory_space<vmem>>)
    %dma_wait3A_149 = arith.constant 0 : i32
    %dma_wait3A_150 = arith.constant 0 : i32
    %dma_wait3A_151 = tpu.memref_slice %arg11[%dma_wait3A_149, %dma_wait3A_150] : memref<256x32xf32, #tpu.memory_space<vmem>> -> memref<64x32xf32, #tpu.memory_space<vmem>>
    %dma_wait3A_152 = arith.constant 0 : i32
    %dma_wait3A_153 = arith.constant 0 : i32
    %dma_wait3A_154 = tpu.memref_slice %arg5[%dma_wait3A_152, %dma_wait3A_153] : memref<1000000x32xf32, #tpu.memory_space<hbm>> -> memref<64x32xf32, #tpu.memory_space<hbm>>
    %dma_wait3A_155 = arith.constant 0 : i32
    %dma_wait3A_156 = arith.constant 0 : i32
    %dma_wait3A_157 = tpu.memref_slice %arg11[%dma_wait3A_155, %dma_wait3A_156] : memref<256x32xf32, #tpu.memory_space<vmem>> -> memref<64x32xf32, #tpu.memory_space<vmem>>
    %dma_wait3A_158 = arith.constant 0 : i32
    %dma_wait3A_159 = arith.constant 0 : i32
    %dma_wait3A_160 = tpu.memref_slice %arg5[%dma_wait3A_158, %dma_wait3A_159] : memref<1000000x32xf32, #tpu.memory_space<hbm>> -> memref<64x32xf32, #tpu.memory_space<hbm>>
    tpu.wait_dma2 semaphore(%arg15 : memref<!tpu.dma_semaphore, #tpu.memory_space<semaphore_mem>>) src(%dma_wait3A_160 : memref<64x32xf32, #tpu.memory_space<hbm>>) dst(%dma_wait3A_157 : memref<64x32xf32, #tpu.memory_space<vmem>>)
    %dma_wait3A_161 = arith.constant 0 : i32
    %dma_wait3A_162 = arith.constant 0 : i32
    %dma_wait3A_163 = tpu.memref_slice %arg10[%dma_wait3A_161, %dma_wait3A_162] : memref<256x32xf32, #tpu.memory_space<vmem>> -> memref<64x32xf32, #tpu.memory_space<vmem>>
    %dma_wait3A_164 = arith.constant 0 : i32
    %dma_wait3A_165 = arith.constant 0 : i32
    %dma_wait3A_166 = tpu.memref_slice %arg4[%dma_wait3A_164, %dma_wait3A_165] : memref<1000000x32xf32, #tpu.memory_space<hbm>> -> memref<64x32xf32, #tpu.memory_space<hbm>>
    %dma_wait3A_167 = arith.constant 0 : i32
    %dma_wait3A_168 = arith.constant 0 : i32
    %dma_wait3A_169 = tpu.memref_slice %arg10[%dma_wait3A_167, %dma_wait3A_168] : memref<256x32xf32, #tpu.memory_space<vmem>> -> memref<64x32xf32, #tpu.memory_space<vmem>>
    %dma_wait3A_170 = arith.constant 0 : i32
    %dma_wait3A_171 = arith.constant 0 : i32
    %dma_wait3A_172 = tpu.memref_slice %arg4[%dma_wait3A_170, %dma_wait3A_171] : memref<1000000x32xf32, #tpu.memory_space<hbm>> -> memref<64x32xf32, #tpu.memory_space<hbm>>
    tpu.wait_dma2 semaphore(%arg16 : memref<!tpu.dma_semaphore, #tpu.memory_space<semaphore_mem>>) src(%dma_wait3A_172 : memref<64x32xf32, #tpu.memory_space<hbm>>) dst(%dma_wait3A_169 : memref<64x32xf32, #tpu.memory_space<vmem>>)
    %dma_wait3A_173 = arith.constant 0 : i32
    %dma_wait3A_174 = arith.constant 0 : i32
    %dma_wait3A_175 = tpu.memref_slice %arg11[%dma_wait3A_173, %dma_wait3A_174] : memref<256x32xf32, #tpu.memory_space<vmem>> -> memref<64x32xf32, #tpu.memory_space<vmem>>
    %dma_wait3A_176 = arith.constant 0 : i32
    %dma_wait3A_177 = arith.constant 0 : i32
    %dma_wait3A_178 = tpu.memref_slice %arg5[%dma_wait3A_176, %dma_wait3A_177] : memref<1000000x32xf32, #tpu.memory_space<hbm>> -> memref<64x32xf32, #tpu.memory_space<hbm>>
    %dma_wait3A_179 = arith.constant 0 : i32
    %dma_wait3A_180 = arith.constant 0 : i32
    %dma_wait3A_181 = tpu.memref_slice %arg11[%dma_wait3A_179, %dma_wait3A_180] : memref<256x32xf32, #tpu.memory_space<vmem>> -> memref<64x32xf32, #tpu.memory_space<vmem>>
    %dma_wait3A_182 = arith.constant 0 : i32
    %dma_wait3A_183 = arith.constant 0 : i32
    %dma_wait3A_184 = tpu.memref_slice %arg5[%dma_wait3A_182, %dma_wait3A_183] : memref<1000000x32xf32, #tpu.memory_space<hbm>> -> memref<64x32xf32, #tpu.memory_space<hbm>>
    tpu.wait_dma2 semaphore(%arg17 : memref<!tpu.dma_semaphore, #tpu.memory_space<semaphore_mem>>) src(%dma_wait3A_184 : memref<64x32xf32, #tpu.memory_space<hbm>>) dst(%dma_wait3A_181 : memref<64x32xf32, #tpu.memory_space<vmem>>)
    %dma_wait3A_185 = arith.constant 0 : i32
    %dma_wait3A_186 = arith.constant 0 : i32
    %dma_wait3A_187 = tpu.memref_slice %arg10[%dma_wait3A_185, %dma_wait3A_186] : memref<256x32xf32, #tpu.memory_space<vmem>> -> memref<64x32xf32, #tpu.memory_space<vmem>>
    %dma_wait3A_188 = arith.constant 0 : i32
    %dma_wait3A_189 = arith.constant 0 : i32
    %dma_wait3A_190 = tpu.memref_slice %arg4[%dma_wait3A_188, %dma_wait3A_189] : memref<1000000x32xf32, #tpu.memory_space<hbm>> -> memref<64x32xf32, #tpu.memory_space<hbm>>
    %dma_wait3A_191 = arith.constant 0 : i32
    %dma_wait3A_192 = arith.constant 0 : i32
    %dma_wait3A_193 = tpu.memref_slice %arg10[%dma_wait3A_191, %dma_wait3A_192] : memref<256x32xf32, #tpu.memory_space<vmem>> -> memref<64x32xf32, #tpu.memory_space<vmem>>
    %dma_wait3A_194 = arith.constant 0 : i32
    %dma_wait3A_195 = arith.constant 0 : i32
    %dma_wait3A_196 = tpu.memref_slice %arg4[%dma_wait3A_194, %dma_wait3A_195] : memref<1000000x32xf32, #tpu.memory_space<hbm>> -> memref<64x32xf32, #tpu.memory_space<hbm>>
    tpu.wait_dma2 semaphore(%arg18 : memref<!tpu.dma_semaphore, #tpu.memory_space<semaphore_mem>>) src(%dma_wait3A_196 : memref<64x32xf32, #tpu.memory_space<hbm>>) dst(%dma_wait3A_193 : memref<64x32xf32, #tpu.memory_space<vmem>>)
    %dma_wait3A_197 = arith.constant 0 : i32
    %dma_wait3A_198 = arith.constant 0 : i32
    %dma_wait3A_199 = tpu.memref_slice %arg11[%dma_wait3A_197, %dma_wait3A_198] : memref<256x32xf32, #tpu.memory_space<vmem>> -> memref<64x32xf32, #tpu.memory_space<vmem>>
    %dma_wait3A_200 = arith.constant 0 : i32
    %dma_wait3A_201 = arith.constant 0 : i32
    %dma_wait3A_202 = tpu.memref_slice %arg5[%dma_wait3A_200, %dma_wait3A_201] : memref<1000000x32xf32, #tpu.memory_space<hbm>> -> memref<64x32xf32, #tpu.memory_space<hbm>>
    %dma_wait3A_203 = arith.constant 0 : i32
    %dma_wait3A_204 = arith.constant 0 : i32
    %dma_wait3A_205 = tpu.memref_slice %arg11[%dma_wait3A_203, %dma_wait3A_204] : memref<256x32xf32, #tpu.memory_space<vmem>> -> memref<64x32xf32, #tpu.memory_space<vmem>>
    %dma_wait3A_206 = arith.constant 0 : i32
    %dma_wait3A_207 = arith.constant 0 : i32
    %dma_wait3A_208 = tpu.memref_slice %arg5[%dma_wait3A_206, %dma_wait3A_207] : memref<1000000x32xf32, #tpu.memory_space<hbm>> -> memref<64x32xf32, #tpu.memory_space<hbm>>
    tpu.wait_dma2 semaphore(%arg19 : memref<!tpu.dma_semaphore, #tpu.memory_space<semaphore_mem>>) src(%dma_wait3A_208 : memref<64x32xf32, #tpu.memory_space<hbm>>) dst(%dma_wait3A_205 : memref<64x32xf32, #tpu.memory_space<vmem>>)
    %add3A_209 = arith.constant 256 : i32
    %add3A_210 = arith.addi %mul3A_2, %add3A_209 : i32
    "tpu.region"() ({
      %run_scoped3A = tpu.sem_alloc : memref<!tpu.dma_semaphore, #tpu.memory_space<semaphore_mem>>
      %dma_start3A = arith.constant 0 : i32
      %dma_start3A_213 = tpu.memref_slice %arg6[%add3A_210, %dma_start3A] : memref<16384x32xf32, #tpu.memory_space<hbm>> -> memref<256x32xf32, #tpu.memory_space<hbm>>
      %dma_start3A_214 = arith.constant 0 : i32
      %dma_start3A_215 = tpu.memref_slice %arg6[%add3A_210, %dma_start3A_214] : memref<16384x32xf32, #tpu.memory_space<hbm>> -> memref<256x32xf32, #tpu.memory_space<hbm>>
      tpu.enqueue_dma source(%arg10 : memref<256x32xf32, #tpu.memory_space<vmem>>) target(%dma_start3A_215 : memref<256x32xf32, #tpu.memory_space<hbm>>) target_semaphore(%run_scoped3A : memref<!tpu.dma_semaphore, #tpu.memory_space<semaphore_mem>>)
      %dma_wait3A_216 = arith.constant 0 : i32
      %dma_wait3A_217 = tpu.memref_slice %arg6[%add3A_210, %dma_wait3A_216] : memref<16384x32xf32, #tpu.memory_space<hbm>> -> memref<256x32xf32, #tpu.memory_space<hbm>>
      %dma_wait3A_218 = arith.constant 0 : i32
      %dma_wait3A_219 = tpu.memref_slice %arg6[%add3A_210, %dma_wait3A_218] : memref<16384x32xf32, #tpu.memory_space<hbm>> -> memref<256x32xf32, #tpu.memory_space<hbm>>
      tpu.wait_dma2 semaphore(%run_scoped3A : memref<!tpu.dma_semaphore, #tpu.memory_space<semaphore_mem>>) src(%arg10 : memref<256x32xf32, #tpu.memory_space<vmem>>) dst(%dma_wait3A_219 : memref<256x32xf32, #tpu.memory_space<hbm>>)
      tpu.yield
    }) : () -> ()
    %add3A_211 = arith.constant 256 : i32
    %add3A_212 = arith.addi %mul3A_2, %add3A_211 : i32
    "tpu.region"() ({
      %run_scoped3A = tpu.sem_alloc : memref<!tpu.dma_semaphore, #tpu.memory_space<semaphore_mem>>
      %dma_start3A = arith.constant 0 : i32
      %dma_start3A_213 = tpu.memref_slice %arg7[%add3A_212, %dma_start3A] : memref<16384x32xf32, #tpu.memory_space<hbm>> -> memref<256x32xf32, #tpu.memory_space<hbm>>
      %dma_start3A_214 = arith.constant 0 : i32
      %dma_start3A_215 = tpu.memref_slice %arg7[%add3A_212, %dma_start3A_214] : memref<16384x32xf32, #tpu.memory_space<hbm>> -> memref<256x32xf32, #tpu.memory_space<hbm>>
      tpu.enqueue_dma source(%arg11 : memref<256x32xf32, #tpu.memory_space<vmem>>) target(%dma_start3A_215 : memref<256x32xf32, #tpu.memory_space<hbm>>) target_semaphore(%run_scoped3A : memref<!tpu.dma_semaphore, #tpu.memory_space<semaphore_mem>>)
      %dma_wait3A_216 = arith.constant 0 : i32
      %dma_wait3A_217 = tpu.memref_slice %arg7[%add3A_212, %dma_wait3A_216] : memref<16384x32xf32, #tpu.memory_space<hbm>> -> memref<256x32xf32, #tpu.memory_space<hbm>>
      %dma_wait3A_218 = arith.constant 0 : i32
      %dma_wait3A_219 = tpu.memref_slice %arg7[%add3A_212, %dma_wait3A_218] : memref<16384x32xf32, #tpu.memory_space<hbm>> -> memref<256x32xf32, #tpu.memory_space<hbm>>
      tpu.wait_dma2 semaphore(%run_scoped3A : memref<!tpu.dma_semaphore, #tpu.memory_space<semaphore_mem>>) src(%arg11 : memref<256x32xf32, #tpu.memory_space<vmem>>) dst(%dma_wait3A_219 : memref<256x32xf32, #tpu.memory_space<hbm>>)
      tpu.yield
    }) : () -> ()
    return
  }
}

module attributes {stable_mosaic.version = 14 : i64} {
  func.func @_mlp_body(%arg0: memref<16384x32xf32, #tpu.memory_space<vmem>>, %arg1: memref<16384x32xf32, #tpu.memory_space<vmem>>, %arg2: memref<32x128xf32, #tpu.memory_space<vmem>>, %arg3: memref<32x128xf32, #tpu.memory_space<vmem>>, %arg4: memref<1x128xf32, #tpu.memory_space<vmem>>, %arg5: memref<128x64xf32, #tpu.memory_space<vmem>>, %arg6: memref<1x64xf32, #tpu.memory_space<vmem>>, %arg7: memref<64x32xf32, #tpu.memory_space<vmem>>, %arg8: memref<1x32xf32, #tpu.memory_space<vmem>>, %arg9: memref<1x32xf32, #tpu.memory_space<vmem>>, %arg10: memref<1x1xf32, #tpu.memory_space<vmem>>, %arg11: memref<16384xf32, #tpu.memory_space<vmem>>) attributes {dimension_semantics = [], scalar_prefetch = 0 : i64, scratch_operands = 0 : i64, tpu.core_type = #tpu.core_type<tc>} {
    %get3A = arith.constant 0 : index
    %get3A_0 = arith.constant 0 : index
    %get3A_1 = vector.load %arg0[%get3A, %get3A_0] : memref<16384x32xf32, #tpu.memory_space<vmem>>, vector<16384x32xf32>
    %get3A_2 = arith.constant 0 : index
    %get3A_3 = arith.constant 0 : index
    %get3A_4 = vector.load %arg2[%get3A_2, %get3A_3] : memref<32x128xf32, #tpu.memory_space<vmem>>, vector<32x128xf32>
    %dot_general3A = arith.constant dense<0.000000e+00> : vector<16384x128xf32>
    %dot_general3A_5 = tpu.matmul %get3A_1, %get3A_4, %dot_general3A {dimension_numbers = #tpu.dot_dimension_numbers<[1], [0], [0], [1], [0, 0, 1, 1], [], []>, transpose_lhs_hint = false} : vector<16384x32xf32>, vector<32x128xf32>, vector<16384x128xf32> -> vector<16384x128xf32>
    %get3A_6 = arith.constant 0 : index
    %get3A_7 = arith.constant 0 : index
    %get3A_8 = vector.load %arg1[%get3A_6, %get3A_7] : memref<16384x32xf32, #tpu.memory_space<vmem>>, vector<16384x32xf32>
    %get3A_9 = arith.constant 0 : index
    %get3A_10 = arith.constant 0 : index
    %get3A_11 = vector.load %arg3[%get3A_9, %get3A_10] : memref<32x128xf32, #tpu.memory_space<vmem>>, vector<32x128xf32>
    %dot_general3A_12 = arith.constant dense<0.000000e+00> : vector<16384x128xf32>
    %dot_general3A_13 = tpu.matmul %get3A_8, %get3A_11, %dot_general3A_12 {dimension_numbers = #tpu.dot_dimension_numbers<[1], [0], [0], [1], [0, 0, 1, 1], [], []>, transpose_lhs_hint = false} : vector<16384x32xf32>, vector<32x128xf32>, vector<16384x128xf32> -> vector<16384x128xf32>
    %add3A = arith.addf %dot_general3A_5, %dot_general3A_13 : vector<16384x128xf32>
    %get3A_14 = arith.constant 0 : index
    %get3A_15 = arith.constant 0 : index
    %get3A_16 = vector.load %arg4[%get3A_14, %get3A_15] : memref<1x128xf32, #tpu.memory_space<vmem>>, vector<1x128xf32>
    %add3A_17 = vector.broadcast %get3A_16 : vector<1x128xf32> to vector<16384x128xf32>
    %add3A_18 = arith.addf %add3A, %add3A_17 : vector<16384x128xf32>
    %max3A = arith.constant 0.000000e+00 : f32
    %max3A_19 = vector.broadcast %max3A : f32 to vector<16384x128xf32>
    %max3A_20 = arith.maximumf %add3A_18, %max3A_19 : vector<16384x128xf32>
    %get3A_21 = arith.constant 0 : index
    %get3A_22 = arith.constant 0 : index
    %get3A_23 = vector.load %arg5[%get3A_21, %get3A_22] : memref<128x64xf32, #tpu.memory_space<vmem>>, vector<128x64xf32>
    %dot_general3A_24 = arith.constant dense<0.000000e+00> : vector<16384x64xf32>
    %dot_general3A_25 = tpu.matmul %max3A_20, %get3A_23, %dot_general3A_24 {dimension_numbers = #tpu.dot_dimension_numbers<[1], [0], [0], [1], [0, 0, 1, 1], [], []>, transpose_lhs_hint = false} : vector<16384x128xf32>, vector<128x64xf32>, vector<16384x64xf32> -> vector<16384x64xf32>
    %get3A_26 = arith.constant 0 : index
    %get3A_27 = arith.constant 0 : index
    %get3A_28 = vector.load %arg6[%get3A_26, %get3A_27] : memref<1x64xf32, #tpu.memory_space<vmem>>, vector<1x64xf32>
    %add3A_29 = vector.broadcast %get3A_28 : vector<1x64xf32> to vector<16384x64xf32>
    %add3A_30 = arith.addf %dot_general3A_25, %add3A_29 : vector<16384x64xf32>
    %max3A_31 = arith.constant 0.000000e+00 : f32
    %max3A_32 = vector.broadcast %max3A_31 : f32 to vector<16384x64xf32>
    %max3A_33 = arith.maximumf %add3A_30, %max3A_32 : vector<16384x64xf32>
    %get3A_34 = arith.constant 0 : index
    %get3A_35 = arith.constant 0 : index
    %get3A_36 = vector.load %arg7[%get3A_34, %get3A_35] : memref<64x32xf32, #tpu.memory_space<vmem>>, vector<64x32xf32>
    %dot_general3A_37 = arith.constant dense<0.000000e+00> : vector<16384x32xf32>
    %dot_general3A_38 = tpu.matmul %max3A_33, %get3A_36, %dot_general3A_37 {dimension_numbers = #tpu.dot_dimension_numbers<[1], [0], [0], [1], [0, 0, 1, 1], [], []>, transpose_lhs_hint = false} : vector<16384x64xf32>, vector<64x32xf32>, vector<16384x32xf32> -> vector<16384x32xf32>
    %get3A_39 = arith.constant 0 : index
    %get3A_40 = arith.constant 0 : index
    %get3A_41 = vector.load %arg8[%get3A_39, %get3A_40] : memref<1x32xf32, #tpu.memory_space<vmem>>, vector<1x32xf32>
    %add3A_42 = vector.broadcast %get3A_41 : vector<1x32xf32> to vector<16384x32xf32>
    %add3A_43 = arith.addf %dot_general3A_38, %add3A_42 : vector<16384x32xf32>
    %max3A_44 = arith.constant 0.000000e+00 : f32
    %max3A_45 = vector.broadcast %max3A_44 : f32 to vector<16384x32xf32>
    %max3A_46 = arith.maximumf %add3A_43, %max3A_45 : vector<16384x32xf32>
    %get3A_47 = arith.constant 0 : index
    %get3A_48 = arith.constant 0 : index
    %get3A_49 = vector.load %arg9[%get3A_47, %get3A_48] : memref<1x32xf32, #tpu.memory_space<vmem>>, vector<1x32xf32>
    %mul3A = vector.broadcast %get3A_49 : vector<1x32xf32> to vector<16384x32xf32>
    %mul3A_50 = arith.mulf %max3A_46, %mul3A : vector<16384x32xf32>
    %reduce_sum3A = arith.constant dense<0.000000e+00> : vector<16384xf32>
    %reduce_sum3A_51 = vector.multi_reduction <add>, %mul3A_50, %reduce_sum3A [1] : vector<16384x32xf32> to vector<16384xf32>
    %get3A_52 = arith.constant 0 : index
    %get3A_53 = arith.constant 0 : index
    %get3A_54 = vector.load %arg10[%get3A_52, %get3A_53] : memref<1x1xf32, #tpu.memory_space<vmem>>, vector<1x1xf32>
    %get3A_55 = vector.extract %get3A_54[0, 0] : f32 from vector<1x1xf32>
    %add3A_56 = vector.broadcast %get3A_55 : f32 to vector<16384xf32>
    %add3A_57 = arith.addf %reduce_sum3A_51, %add3A_56 : vector<16384xf32>
    %swap3A = arith.constant 0 : index
    %swap3A_58 = vector.load %arg11[%swap3A] : memref<16384xf32, #tpu.memory_space<vmem>>, vector<16384xf32>
    tpu.vector_store %arg11[%swap3A], %add3A_57 {strides = array<i32>} : memref<16384xf32, #tpu.memory_space<vmem>>, vector<16384xf32>,
    return
  }
}

</mosaic_0001>

<sc_bundles>
// kernel: kernel.4.cloned.1.call-start
scs
__scs_entry_jumppad:
0x0: {  	(pc) =	sbr.rel $0x88, $3  }
0x1: {  	(tag) =	ssettag $0x0;
	lr =	simm.s32 $0x1  }
0x2: {  	[smem:$0x3F95] =	sst lr;
	_ =	strace $0xD0000000  }
0x3: {  	_ = 	snop  }
0x4: {  	_ = 	snop  }
0x5: {  	_ = 	snop  }
0x6: {  	_ = 	snop  }
0x7: {  	_ = 	snop  }
__scs_overlays_trampoline_lowered:
0x8: {  	[smem:$0x3FA4] =	sst s0  }
0x9: {  	[smem:$0x3FA5] =	sst s1  }
0xa: {  	[smem:$0x3FA6] =	sst s2  }
0xb: {  	[smem:$0x3FA7] =	sst s3  }
0xc: {  	[smem:$0x3FA8] =	sst s4  }
0xd: {  	[smem:$0x3FA9] =	sst s5  }
0xe: {  	[smem:$0x3FAA] =	sst s6  }
0xf: {  	[smem:$0x3FAB] =	sst s7  }
0x10: {  	[smem:$0x3FAC] =	sst s8  }
0x11: {  	[smem:$0x3FAD] =	sst s9;
	s0 =	simm.s32 @!p0 $0x0  }
0x12: {  	s1 =	sld [smem:$0x3F93];
	s0 =	simm.s32 @p0 $0x1  }
0x13: {  	[smem:$0x3FAE] =	sst s0;
	s0 =	simm.s32 @!p1 $0x0  }
0x14: {  	s2 =	sld [smem:$0x3F92];
	s0 =	simm.s32 @p1 $0x1  }
0x15: {  	[smem:$0x3FAF] =	sst s0;
	s0 =	simm.s32 @!p2 $0x0  }
0x16: {  	s3 =	sld [smem:$0x3FDB];
	s0 =	simm.s32 @p2 $0x1  }
0x17: {  	s4 =	simm.s32 $0x1BF5;
	[smem:$0x3FB1] =	sst s0  }
0x18: {  	s0 =	sld [smem:$0x3F94];
	_ =	swait.ge [sflag:s4], $0x0  }
0x19: {  	s7 =	sld [smem:$0x3F95]  }
0x1a: {  	s8 =	sadd.s32 $0xFFFFE003, lr  }
0x1b: {  	s9 =	sadd.s32 $0xFFFFFEF7, lr;
	s5 =	simm.s32 $0xFFFFFFFF;
	p2 =	slt.u32 s8, $0xFFFFF086  }
0x1c: {  	p1 =	slt.u32 s9, $0xF7A;
	s5 =	simm.s32 @!p2 $0x0  }
0x1d: {  	s5 =	simm.s32 @p1 $0x1;
	p0 =	seq.s32 s7, s2  }
0x1e: {  	s7 =	smul.u32 @!p0 $0xF7A, s2;
	p2 =	seq.s32 @!p0 s5, $0x0  }
0x1f: {  	s9 =	smul.u32 $0xF7A, s1;
	s8 =	simm.s32 @!p0 $0x1BF5;
	p2 =	por !p2, p0  }
0x20: {  	[sflag:s8] =	ssyncset.s32 @!p0 $0xFFFFF086;
	s6 =	sadd.s32 @!p0 s3, s7;
	s7 =	simm.s32 @!p0 $0x108  }
0x21: {  	s3 =	sadd.s32 s3, s9;
	s6 =	sadd.s32 @!p0 $0x88, s6;
	s7 =	simm.s32 @p2 $0x1082  }
0x22: {  	[simem:s7], [sflag:s8] =	dma.local @!p0 [hbm:s6], $0xF7A  }
0x23: {  	s9 =	sor.u32 $0xD0000000, s2;
	s6 =	simm.s32 $0x108;
	_ =	swait.ge @!p0 [sflag:s8], $0x0  }
0x24: {  	s3 =	sadd.s32 $0x88, s3;
	s6 =	simm.s32 @!p1 $0x1082;
	[sflag:s4] =	ssyncset.s32 $0xFFFFF086  }
0x25: {  	[simem:s6], [sflag:s4] =	dma.local [hbm:s3], $0xF7A  }
0x26: {  	[smem:$0x3F95] =	sst s1;
	(tag) =	ssettag s2;
	_ =	strace s9  }
0x27: {  	s1 =	sld [smem:$0x3FA5]  }
0x28: {  	s2 =	sld [smem:$0x3FA6]  }
0x29: {  	s4 =	sld [smem:$0x3FA8]  }
0x2a: {  	p0 =	seq.s32 s5, $0x0;
	s5 =	sld [smem:$0x3FA9]  }
0x2b: {  	s6 =	sld [smem:$0x3FAA]  }
0x2c: {  	s7 =	sld [smem:$0x3FAB]  }
0x2d: {  	s3 =	simm.s32 $0x108;
	s8 =	sld [smem:$0x3FAC]  }
0x2e: {  	s3 =	simm.s32 @!p0 $0x1082;
	s9 =	sld [smem:$0x3FAD]  }
0x2f: {  	lr =	sadd.s32 s0, s3;
	s0 =	sld [smem:$0x3FA4]  }
0x30: {  	s3 =	sld [smem:$0x3FA7]  }
0x31: {  	[smem:$0x3FB0] =	sst s10  }
0x32: {  	s10 =	sld [smem:$0x3FAE];
	_ =	sdelay $0x3  }
0x33: {  	p0 =	seq.s32 s10, $0x1;
	s10 =	sld [smem:$0x3FB0];
	_ =	sdelay $0x3  }
0x34: {  	[smem:$0x3FB0] =	sst s10  }
0x35: {  	s10 =	sld [smem:$0x3FAF];
	_ =	sdelay $0x3  }
0x36: {  	p1 =	seq.s32 s10, $0x1;
	s10 =	sld [smem:$0x3FB0];
	_ =	sdelay $0x3  }
0x37: {  	[smem:$0x3FB0] =	sst s10  }
0x38: {  	s10 =	sld [smem:$0x3FB1]  }
0x39: {  	_ = 	snop;
	(pc) =	sbr.ind lr, $3  }
0x3a: {  	_ = 	snop  }
0x3b: {  	_ = 	snop  }
0x3c: {  	p2 =	seq.s32 s10, $0x1;
	s10 =	sld [smem:$0x3FB0]  }
0x3d: {  	_ =	shalt  }
0x3e: {  	_ =	shalt  }
0x3f: {  	_ =	shalt  }
0x40: {  	_ =	shalt  }
0x41: {  	_ =	shalt  }
0x42: {  	_ =	shalt  }
0x43: {  	_ =	shalt  }
0x44: {  	_ =	shalt  }
0x45: {  	_ =	shalt  }
0x46: {  	_ =	shalt  }
0x47: {  	_ =	shalt  }
0x48: {  	_ =	shalt  }
0x49: {  	_ =	shalt  }
0x4a: {  	_ =	shalt  }
0x4b: {  	_ =	shalt  }
0x4c: {  	_ =	shalt  }
0x4d: {  	_ =	shalt  }
0x4e: {  	_ =	shalt  }
0x4f: {  	_ =	shalt  }
0x50: {  	_ =	shalt  }
0x51: {  	_ =	shalt  }
0x52: {  	_ =	shalt  }
0x53: {  	_ =	shalt  }
0x54: {  	_ =	shalt  }
0x55: {  	_ =	shalt  }
0x56: {  	_ =	shalt  }
0x57: {  	_ =	shalt  }
0x58: {  	_ =	shalt  }
0x59: {  	_ =	shalt  }
0x5a: {  	_ =	shalt  }
0x5b: {  	_ =	shalt  }
0x5c: {  	_ =	shalt  }
0x5d: {  	_ =	shalt  }
0x5e: {  	_ =	shalt  }
0x5f: {  	_ =	shalt  }
0x60: {  	_ =	shalt  }
0x61: {  	_ =	shalt  }
0x62: {  	_ =	shalt  }
0x63: {  	_ =	shalt  }
0x64: {  	_ =	shalt  }
0x65: {  	_ =	shalt  }
0x66: {  	_ =	shalt  }
0x67: {  	_ =	shalt  }
0x68: {  	_ =	shalt  }
0x69: {  	_ =	shalt  }
0x6a: {  	_ =	shalt  }
0x6b: {  	_ =	shalt  }
0x6c: {  	_ =	shalt  }
0x6d: {  	_ =	shalt  }
0x6e: {  	_ =	shalt  }
0x6f: {  	_ =	shalt  }
0x70: {  	_ =	shalt  }
0x71: {  	_ =	shalt  }
0x72: {  	_ =	shalt  }
0x73: {  	_ =	shalt  }
0x74: {  	_ =	shalt  }
0x75: {  	_ =	shalt  }
0x76: {  	_ =	shalt  }
0x77: {  	_ =	shalt  }
0x78: {  	_ =	shalt  }
0x79: {  	_ =	shalt  }
0x7a: {  	_ =	shalt  }
0x7b: {  	_ =	shalt  }
0x7c: {  	_ =	shalt  }
0x7d: {  	_ =	shalt  }
0x7e: {  	_ =	shalt  }
0x7f: {  	_ =	shalt  }
0x80: {  	_ =	shalt  }
0x81: {  	_ =	shalt  }
0x82: {  	_ =	shalt  }
0x83: {  	_ =	shalt  }
0x84: {  	_ =	shalt  }
0x85: {  	_ =	shalt  }
0x86: {  	_ =	shalt  }
0x87: {  	_ =	shalt  }
.Lfunc_end0:
.L_simem_size_0:
called_computation_lowered:
.L_overlay_start_0:
0x88: {  	s2 =	sld [smem:$0x3FD9]  }
0x89: {  	s3 =	sld [smem:$0x3FFE];
	_ =	sdelay $0x1  }
0x8a: {  	s1 =	srdreg.scid  }
0x8b: {  	s0 =	sand.u32 $0x1, s1  }
0x8c: {  	s17 =	sshll.u32 s0, $0xA;
	s2 =	sadd.s32 s3, s2  }
0x8d: {  	s2 =	sadd.s32 s2, s17  }
0x8e: {  	[smem:$0x3FBC] =	sst s2  }
0x8f: {  	_ = 	snop  }
0x90: {  	s2 =	sld [smem:$0x3FC9]  }
0x91: {  	s18 =	sld [smem:$0x3FC8];
	(tm) =	ssettm $0x1  }
0x92: {  	s4 =	sld [smem:$0x3FFB];
	_ =	sdelay $0x3  }
0x93: {  	_ =	strace s4  }
0x94: {  	s4 =	sld [smem:$0x3FFC];
	_ =	sdelay $0x3  }
0x95: {  	_ =	strace s4  }
0x96: {  	s4 =	sld [smem:$0x3FFD];
	_ =	sdelay $0x3  }
0x97: {  	_ =	strace s4  }
0x98: {  	_ =	strace $0x8FFFFFFF  }
0x99: {  	s19 =	sld [smem:$0x3FDB];
	_ =	sdelay $0x1  }
0x9a: {  	s5 =	simm.s32 $_scs_section_size  }
0x9b: {  	s6 =	simm.s32 $_size__tile_overlayer_lowered;
	s7 =	simm.s32 $_tile_overlayer_lowered  }
0x9c: {  	s22 =	simm.s32 $0x1BFF;
	s21 =	sshll.u32 s7, $0x1;
	s4 =	sadd.s32 s5, s19  }
0x9d: {  	s8 =	simm.s32 $0x0;
	s20 =	sshll.u32 s6, $0x1;
	s6 =	sadd.s32 s21, s4  }
0x9e: {  	[timem:s8], [sflag:s22] =	dma.local [hbm:s6], s20  }
0x9f: {  	_ =	swait.ge [sflag:s22], s20  }
0xa0: {  	s5 =	ssub.s32 $0x0, s20;
	[sflag:s22] =	ssyncset.done $0x0  }
0xa1: {  	[sflag:s22] =	ssyncadd.s32 s5;
	_ =	sdelay $0x1  }
0xa2: {  	s23 =	simm.s32 $0x1B8B  }
0xa3: {  	_ =	swait.ge [sflag:s23], $0x1  }
0xa4: {  	[sflag:s23] =	ssyncset.done $0x0  }
0xa5: {  	s25 =	simm.s32 $0x1B8E;
	s24 =	sld [smem:$0x3FFE];
	[sflag:s23] =	ssyncadd.s32 $0xFFFFFFFF  }
0xa6: {  	s26 =	simm.s32 $execute0_lowered;
	[smem:$0x3FD2] =	sst s25  }
0xa7: {  	s6 =	sshll.u32 s26, $0x1;
	_ =	strace $0x80000046;
	[dreg:$0x1] =	wrdreg $0xFFFFFFFF  }
0xa8: {  	s28 =	simm.s32 $_size_execute0_lowered;
	s4 =	sadd.s32 s4, s6;
	[dreg:$0x0] =	wrdreg $0x0  }
0xa9: {  	s6 =	sshll.u32 s28, $0x1;
	[dreg:$0x2] =	wrdreg s4  }
0xaa: {  	[dreg:$0x3] =	wrdreg s6  }
0xab: {  	[dreg:$0x4] =	wrdreg $0xC0  }
0xac: {  	_ =	task [dreg:s8], $0x5FFFF  }
0xad: {  	[dreg:$0x1] =	wrdreg $0xFFFFFFFF  }
0xae: {  	[dreg:$0x0] =	wrdreg $0x60  }
0xaf: {  	[dreg:$0x2] =	wrdreg s2  }
0xb0: {  	[dreg:$0x3] =	wrdreg s18  }
0xb1: {  	[dreg:$0x4] =	wrdreg s24  }
0xb2: {  	[dreg:$0x5] =	wrdreg $0x9  }
0xb3: {  	_ =	task.clear_ibuf [dreg:s8], $0x6FFFF;
	_ =	strace $0x90000046  }
0xb4: {  	s29 =	simm.s32 $0x9;
	_ =	strace $0x80000048  }
0xb5: {  	_ =	swait.ge [sflag:s29], $0x1  }
0xb6: {  	[sflag:s29] =	ssyncadd.s32 $0xFFFFFFFF  }
0xb7: {  	_ =	strace $0x90000048  }
0xb8: {  	_ =	sfence  }
0xb9: {  	s30 =	sld [smem:$0x0];
	_ =	sdelay $0x2  }
0xba: {  	s31 =	sshll.u32 s1, $0xD;
	s1 =	sshrl.u32 s1, $0x2  }
0xbb: {  	s3 =	sand.u32 $0x4000, s31;
	s1 =	sadd.s32 s1, s30  }
0xbc: {  	s0 =	sor.u32 s3, s0;
	s1 =	sshll.u32 s1, $0x11  }
0xbd: {  	s0 =	sor.u32 s1, s0  }
0xbe: {  	s0 =	sadd.s32 $0x8F2B, s0  }
0xbf: {  	[sflag:s0] =	ssyncadd.remote.s32 $0x1  }
0xc0: {  	_ =	sfence.sel $0xFFFF  }
0xc1: {  	[dreg:$0x0] =	wrdreg $0xFFFFFFFF;
	(pc) =	sbr.abs _section_cstart, $3  }
0xc2: {  	[dreg:$0x1] =	wrdreg $0xFFFFFFFF  }
0xc3: {  	_ =	task.clear_ibuf [dreg:s8], $0x2FFFF;
	_ =	strace $0x9FFFFFFF  }
0xc4: {  	(tm) =	ssettm $0x7FFFFFFF  }
0xc5: {  	_ =	shalt  }
tec
execute0_lowered:
.L_overlay_start_1:
0x0: {  	(tag) =	ssettag $0x1  }
0x1: {  	s0 =	rddreg [dreg:$0x0]  }
0x2: {  	s2 =	rddreg [dreg:$0x1]  }
0x3: {  	s5 =	rddreg [dreg:$0x2];
	s6 =	srdreg.scid  }
0x4: {  	s1 =	simm.s32 $0x0;
	s8 =	stileid.u32;
	s6 =	sand.u32 $0x1, s6  }
0x5: {  	s8 =	sshll.u32 s8, $0xA;
	s7 =	ssub.s32 $0x2, s6;
	s6 =	sshll.u32 s6, $0x9  }
0x6: {  	[smem:$0x7FF] =	sst s1;
	s3 =	sadd.s32 $0x1C00, s5;
	s6 =	sor.u32 s6, s8  }
0x7: {  	s4 =	sadd.s32 $0xF44000, s5;
	s9 =	sadd.s32 $0x1E86400, s5;
	s8 =	sshrl.u32 s6, $0x3  }
0x8: {  	s5 =	sadd.s32 $0x1EC6400, s5;
	_ =	strace $0x80000047;
	s0 =	sadd.s32 s0, s8  }
0x9: {  	s26 =	sshll.u32 s6, $0x4;
	s25 =	sadd.s32 s2, s8;
	[dreg:$0x16] =	wrdreg s0  }
0xa: {  	s10 =	sshrl.u32 s7, $0x1;
	s28 =	sadd.s32 s9, s26;
	[dreg:$0x17] =	wrdreg s25  }
0xb: {  	s7 =	ssub.s32 s7, s10;
	s29 =	sadd.s32 s5, s26;
	[dreg:$0x18] =	wrdreg s28  }
0xc: {  	s31 =	smax.u32 s7, $0x1;
	[dreg:$0x19] =	wrdreg s29;
	s0 =	sor.u32 $0x1000, s26  }
0xd: {  	[dreg:$0x1c] =	wrdreg s31;
	s30 =	sadd.s32 s9, s0  }
0xe: {  	s0 =	sadd.s32 s5, s0;
	[dreg:$0x1a] =	wrdreg s30  }
0xf: {  	s2 =	simm.s32 $0x0;
	s5 =	simm.s32 $0x9;
	[dreg:$0x1b] =	wrdreg s0  }
.LBB2_1:
0x10: {  	[dreg:$0x1d] =	wrdreg s2  }
0x11: {  	s0 =	rddreg [dreg:$0x16]  }
0x12: {  	[tilespmem:s1], [sflag:$0x9] =	stream.linear.gather [hbm4b:s0+s1], $0x200, $0x38;
	[tilespmem:$0x10400] =	vst v63  }
0x13: {  	_ =	swait.ge [sflag:s5], $0x200  }
0x14: {  	[sflag:s5] =	ssyncset.done $0x0  }
0x15: {  	s11 =	simm.s32 $0x200;
	s12 =	rddreg [dreg:$0x17];
	[sflag:s5] =	ssyncadd.s32 $0xFFFFFE00  }
0x16: {  	[tilespmem:s11], [sflag:$0x9] =	stream.linear.gather [hbm4b:s12+s1], $0x200, $0x38;
	[tilespmem:$0x10400] =	vst v63  }
0x17: {  	_ =	swait.ge [sflag:s5], $0x200  }
0x18: {  	[sflag:s5] =	ssyncset.done $0x0  }
0x19: {  	[sflag:s5] =	ssyncadd.s32 $0xFFFFFE00  }
0x1a: {  	v0 =	vld [tilespmem:s1+$0x0];
	_ =	sdelay $0x1  }
0x1b: {  	v2 =	vld [tilespmem:s11+$0x0];
	_ =	sdelay $0x2  }
0x1c: {  	v1 =	vshll.u32 v0, $0x4  }
0x1d: {  	(v2sf) =	vpush v1, $0x0  }
0x1e: {  	v63 =	vshll.u32 v2, $0x4  }
0x1f: {  	(v2sf) =	vpush v63, $0x0;
	_ =	sdelay $0x1  }
0x20: {  	(v2sf) =	vpush v1, $0x1  }
0x21: {  	(v2sf) =	vpush v63, $0x1;
	_ =	sdelay $0x1  }
0x22: {  	(v2sf) =	vpush v1, $0x2;
	_ =	sdelay $0x1  }
0x23: {  	(v2sf) =	vpush v63, $0x2;
	_ =	sdelay $0x1  }
0x24: {  	s25 =	simm.s32 $0x2000;
	(v2sf) =	vpush v1, $0x3  }
0x25: {  	s24 =	simm.s32 $0x0;
	s6 =	simm.s32 $0x8400;
	s2 =	simm.s32 $0x880  }
0x26: {  	s7 =	simm.s32 $0x400;
	s9 =	simm.s32 $0x600;
	s10 =	simm.s32 $0x580  }
0x27: {  	s15 =	simm.s32 $0x480;
	s18 =	simm.s32 $0x8480;
	s20 =	simm.s32 $0x500  }
0x28: {  	s23 =	simm.s32 $0x8500;
	s30 =	simm.s32 $0x10;
	s8 =	spop (v2sf);
	(v2sf) =	vpush v63, $0x3  }
0x29: {  	s31 =	simm.s32 $0x210;
	s0 =	simm.s32 $0x8900;
	s8 =	sand.u32 $0x1FFFFFF0, s8  }
0x2a: {  	s5 =	simm.s32 $0x680;
	s11 =	spop (v2sf);
	(v2sf) =	vpush v1, $0x4;
	s8 =	sadd.s32 s3, s8  }
0x2b: {  	[tilespmem:s7], [sflag:$0x1] =	stream.linear.gather [hbm4b:s8+s1], $0x80, $0x38;
	[tilespmem:$0x10400] =	vst v63  }
0x2c: {  	s13 =	sand.u32 $0x1FFFFFF0, s11;
	s14 =	spop (v2sf);
	s8 =	simm.s32 $0x8580  }
0x2d: {  	(v2sf) =	vpush v63, $0x4;
	s7 =	sadd.s32 s4, s13;
	s11 =	sand.u32 $0x1FFFFFF0, s14;
	s12 =	spop (v2sf)  }
0x2e: {  	(v2sf) =	vpush v1, $0x5;
	[tilespmem:s6], [sflag:$0x2] =	stream.linear.gather [hbm4b:s7+s1], $0x80, $0x38;
	[tilespmem:$0x10400] =	vst v63  }
0x2f: {  	s16 =	sadd.s32 s3, s11;
	s17 =	sand.u32 $0x1FFFFFF0, s12;
	s19 =	spop (v2sf);
	(v2sf) =	vpush v63, $0x5  }
0x30: {  	[tilespmem:s15], [sflag:$0x3] =	stream.linear.gather [hbm4b:s16+s1], $0x80, $0x38;
	[tilespmem:$0x10400] =	vst v63  }
0x31: {  	s11 =	sadd.s32 s4, s17;
	(v2sf) =	vpush v1, $0x6;
	s7 =	sand.u32 $0x1FFFFFF0, s19;
	s21 =	spop (v2sf)  }
0x32: {  	[tilespmem:s18], [sflag:$0x4] =	stream.linear.gather [hbm4b:s11+s1], $0x80, $0x38;
	[tilespmem:$0x10400] =	vst v63  }
0x33: {  	s7 =	sadd.s32 s3, s7;
	s22 =	spop (v2sf);
	(v2sf) =	vpush v63, $0x6;
	s11 =	sand.u32 $0x1FFFFFF0, s21  }
0x34: {  	[tilespmem:s20], [sflag:$0x5] =	stream.linear.gather [hbm4b:s7+s1], $0x80, $0x38;
	[tilespmem:$0x10400] =	vst v63  }
0x35: {  	s13 =	simm.s32 $0x8A00;
	s28 =	sand.u32 $0x1FFFFFF0, s22;
	s26 =	sadd.s32 s4, s11  }
0x36: {  	[tilespmem:s23], [sflag:$0x6] =	stream.linear.gather [hbm4b:s26+s1], $0x80, $0x38;
	[tilespmem:$0x10400] =	vst v63  }
0x37: {  	s14 =	simm.s32 $0xA80;
	s11 =	sadd.s32 s3, s28;
	s29 =	spop (v2sf)  }
0x38: {  	[tilespmem:s10], [sflag:$0x7] =	stream.linear.gather [hbm4b:s11+s1], $0x80, $0x38;
	[tilespmem:$0x10400] =	vst v63  }
0x39: {  	s19 =	simm.s32 $0x8680;
	(v2sf) =	vpush v1, $0x7;
	s6 =	sand.u32 $0x1FFFFFF0, s29;
	s15 =	spop (v2sf)  }
0x3a: {  	s21 =	simm.s32 $0x700;
	s6 =	sadd.s32 s4, s6;
	s11 =	sand.u32 $0x1FFFFFF0, s15  }
0x3b: {  	[tilespmem:s8], [sflag:$0x8] =	stream.linear.gather [hbm4b:s6+s1], $0x80, $0x38;
	[tilespmem:$0x10400] =	vst v63  }
0x3c: {  	s7 =	simm.s32 $0x8600;
	(v2sf) =	vpush v63, $0x7;
	s16 =	spop (v2sf);
	s17 =	sadd.s32 s3, s11  }
0x3d: {  	(v2sf) =	vpush v1, $0x8;
	s18 =	sand.u32 $0x1FFFFFF0, s16;
	s20 =	spop (v2sf);
	s11 =	simm.s32 $0x8700  }
0x3e: {  	s16 =	simm.s32 $0x780;
	s8 =	sadd.s32 s4, s18;
	s22 =	spop (v2sf)  }
0x3f: {  	(v2sf) =	vpush v63, $0x8;
	[tilespmem:s9], [sflag:$0x1] =	stream.linear.gather [hbm4b:s17+s1], $0x80, $0x38;
	[tilespmem:$0x10400] =	vst v63  }
0x40: {  	s6 =	sand.u32 $0x1FFFFFF0, s20;
	s10 =	sand.u32 $0x1FFFFFF0, s22;
	s23 =	spop (v2sf)  }
0x41: {  	(v2sf) =	vpush v1, $0x9;
	[tilespmem:s7], [sflag:$0x2] =	stream.linear.gather [hbm4b:s8+s1], $0x80, $0x38;
	[tilespmem:$0x10400] =	vst v63  }
0x42: {  	s6 =	sadd.s32 s3, s6;
	s26 =	sadd.s32 s4, s10;
	s29 =	spop (v2sf)  }
0x43: {  	(v2sf) =	vpush v63, $0x9;
	[tilespmem:s5], [sflag:$0x3] =	stream.linear.gather [hbm4b:s6+s1], $0x80, $0x38;
	[tilespmem:$0x10400] =	vst v63  }
0x44: {  	s28 =	sand.u32 $0x1FFFFFF0, s23;
	s10 =	simm.s32 $0x8A80;
	s5 =	sand.u32 $0x1FFFFFF0, s29  }
0x45: {  	(v2sf) =	vpush v1, $0xA;
	[tilespmem:s19], [sflag:$0x4] =	stream.linear.gather [hbm4b:s26+s1], $0x80, $0x38;
	[tilespmem:$0x10400] =	vst v63  }
0x46: {  	s7 =	sadd.s32 s3, s28;
	s6 =	simm.s32 $0x8980;
	s5 =	sadd.s32 s4, s5  }
0x47: {  	(v2sf) =	vpush v63, $0xA;
	[tilespmem:s21], [sflag:$0x5] =	stream.linear.gather [hbm4b:s7+s1], $0x80, $0x38;
	[tilespmem:$0x10400] =	vst v63  }
0x48: {  	s19 =	simm.s32 $0x8780;
	s26 =	simm.s32 $0x8800;
	s12 =	spop (v2sf)  }
0x49: {  	(v2sf) =	vpush v1, $0xB;
	[tilespmem:s11], [sflag:$0x6] =	stream.linear.gather [hbm4b:s5+s1], $0x80, $0x38;
	[tilespmem:$0x10400] =	vst v63  }
0x4a: {  	s21 =	simm.s32 $0x800;
	s7 =	simm.s32 $0x8880;
	s5 =	simm.s32 $0xA00  }
0x4b: {  	s9 =	sand.u32 $0x1FFFFFF0, s12;
	s15 =	spop (v2sf);
	(v2sf) =	vpush v63, $0xB;
	s12 =	simm.s32 $0x900  }
0x4c: {  	s17 =	sadd.s32 s3, s9;
	s18 =	sand.u32 $0x1FFFFFF0, s15;
	s20 =	spop (v2sf)  }
0x4d: {  	[tilespmem:s16], [sflag:$0x7] =	stream.linear.gather [hbm4b:s17+s1], $0x80, $0x38;
	[tilespmem:$0x10400] =	vst v63  }
0x4e: {  	s9 =	sadd.s32 s4, s18;
	s8 =	sand.u32 $0x1FFFFFF0, s20;
	s22 =	spop (v2sf)  }
0x4f: {  	(v2sf) =	vpush v1, $0xC;
	[tilespmem:s19], [sflag:$0x8] =	stream.linear.gather [hbm4b:s9+s1], $0x80, $0x38;
	[tilespmem:$0x10400] =	vst v63  }
0x50: {  	s8 =	sadd.s32 s3, s8;
	s23 =	spop (v2sf);
	s9 =	sand.u32 $0x1FFFFFF0, s22  }
0x51: {  	(v2sf) =	vpush v63, $0xC;
	[tilespmem:s21], [sflag:$0x1] =	stream.linear.gather [hbm4b:s8+s1], $0x80, $0x38;
	[tilespmem:$0x10400] =	vst v63  }
0x52: {  	s29 =	sand.u32 $0x1FFFFFF0, s23;
	s11 =	spop (v2sf);
	s28 =	sadd.s32 s4, s9  }
0x53: {  	[tilespmem:s26], [sflag:$0x2] =	stream.linear.gather [hbm4b:s28+s1], $0x80, $0x38;
	[tilespmem:$0x10400] =	vst v63  }
0x54: {  	s9 =	sadd.s32 s3, s29;
	s15 =	spop (v2sf);
	s8 =	sand.u32 $0x1FFFFFF0, s11  }
0x55: {  	[tilespmem:s2], [sflag:$0x3] =	stream.linear.gather [hbm4b:s9+s1], $0x80, $0x38;
	[tilespmem:$0x10400] =	vst v63  }
0x56: {  	s16 =	spop (v2sf);
	s8 =	sadd.s32 s4, s8;
	s9 =	sand.u32 $0x1FFFFFF0, s15  }
0x57: {  	[tilespmem:s7], [sflag:$0x4] =	stream.linear.gather [hbm4b:s8+s1], $0x80, $0x38;
	[tilespmem:$0x10400] =	vst v63  }
0x58: {  	s18 =	sand.u32 $0x1FFFFFF0, s16;
	s17 =	sadd.s32 s3, s9;
	s19 =	spop (v2sf)  }
0x59: {  	[tilespmem:s12], [sflag:$0x5] =	stream.linear.gather [hbm4b:s17+s1], $0x80, $0x38;
	[tilespmem:$0x10400] =	vst v63  }
0x5a: {  	s20 =	sadd.s32 s4, s18;
	s21 =	sand.u32 $0x1FFFFFF0, s19;
	s22 =	spop (v2sf)  }
0x5b: {  	(v2sf) =	vpush v1, $0xD;
	[tilespmem:s0], [sflag:$0x6] =	stream.linear.gather [hbm4b:s20+s1], $0x80, $0x38;
	[tilespmem:$0x10400] =	vst v63  }
0x5c: {  	s23 =	simm.s32 $0x980;
	(v2sf) =	vpush v63, $0xD;
	s26 =	sadd.s32 s3, s21;
	s8 =	sand.u32 $0x1FFFFFF0, s22  }
0x5d: {  	(v2sf) =	vpush v1, $0xE;
	[tilespmem:s23], [sflag:$0x7] =	stream.linear.gather [hbm4b:s26+s1], $0x80, $0x38;
	[tilespmem:$0x10400] =	vst v63  }
0x5e: {  	s2 =	simm.s32 $0xB00;
	s28 =	sadd.s32 s4, s8;
	(v2sf) =	vpush v63, $0xE;
	s29 =	spop (v2sf)  }
0x5f: {  	(v2sf) =	vpush v1, $0xF;
	[tilespmem:s6], [sflag:$0x8] =	stream.linear.gather [hbm4b:s28+s1], $0x80, $0x38;
	[tilespmem:$0x10400] =	vst v63  }
0x60: {  	s15 =	simm.s32 $0x8B00;
	s8 =	spop (v2sf);
	(v2sf) =	vpush v63, $0xF;
	s6 =	sand.u32 $0x1FFFFFF0, s29  }
.LBB2_2:
0x61: {  	_ =	sdelay $0x4  }
0x62: {  	s6 =	sadd.s32 s3, s6;
	s8 =	sand.u32 $0x1FFFFFF0, s8  }
0x63: {  	[tilespmem:s5], [sflag:$0x1] =	stream.linear.gather [hbm4b:s6+s1], $0x80, $0x38;
	[tilespmem:$0x10400] =	vst v63  }
0x64: {  	s29 =	sadd.s32 s4, s8  }
0x65: {  	[tilespmem:s13], [sflag:$0x2] =	stream.linear.gather [hbm4b:s29+s1], $0x80, $0x38;
	[tilespmem:$0x10400] =	vst v63  }
0x66: {  	s9 =	spop (v2sf)  }
0x67: {  	s0 =	sand.u32 $0x1FFFFFF0, s9;
	s7 =	spop (v2sf)  }
0x68: {  	s9 =	sadd.s32 s3, s0;
	s11 =	sand.u32 $0x1FFFFFF0, s7;
	s7 =	spop (v2sf)  }
0x69: {  	[tilespmem:s14], [sflag:$0x3] =	stream.linear.gather [hbm4b:s9+s1], $0x80, $0x38;
	[tilespmem:$0x10400] =	vst v63  }
0x6a: {  	s12 =	sadd.s32 s4, s11;
	s13 =	sand.u32 $0x1FFFFFF0, s7;
	s14 =	spop (v2sf)  }
0x6b: {  	[tilespmem:s10], [sflag:$0x4] =	stream.linear.gather [hbm4b:s12+s1], $0x80, $0x38;
	[tilespmem:$0x10400] =	vst v63  }
0x6c: {  	s16 =	sadd.s32 s3, s13;
	s17 =	sand.u32 $0x1FFFFFF0, s14;
	s18 =	spop (v2sf)  }
0x6d: {  	[tilespmem:s2], [sflag:$0x5] =	stream.linear.gather [hbm4b:s16+s1], $0x80, $0x38;
	[tilespmem:$0x10400] =	vst v63  }
0x6e: {  	s19 =	sadd.s32 s4, s17;
	s20 =	sand.u32 $0x1FFFFFF0, s18;
	s21 =	spop (v2sf)  }
0x6f: {  	[tilespmem:s15], [sflag:$0x6] =	stream.linear.gather [hbm4b:s19+s1], $0x80, $0x38;
	[tilespmem:$0x10400] =	vst v63  }
0x70: {  	s0 =	sadd.s32 $0xB80, s24;
	s22 =	sadd.s32 s3, s20;
	s23 =	sand.u32 $0x1FFFFFF0, s21  }
0x71: {  	[tilespmem:s0], [sflag:$0x7] =	stream.linear.gather [hbm4b:s22+s1], $0x80, $0x38;
	[tilespmem:$0x10400] =	vst v63  }
0x72: {  	s24 =	sadd.s32 $0x8B80, s24;
	s26 =	sadd.s32 s4, s23  }
0x73: {  	[tilespmem:s24], [sflag:$0x8] =	stream.linear.gather [hbm4b:s26+s1], $0x80, $0x38;
	[tilespmem:$0x10400] =	vst v63  }
0x74: {  	v0 =	vld [tilespmem:s30+$0x0]  }
0x75: {  	v2 =	vld [tilespmem:s31+$0x0];
	_ =	sdelay $0x3  }
0x76: {  	v1 =	vshll.u32 v0, $0x4  }
0x77: {  	s28 =	smov.u32 s25;
	v63 =	vshll.u32 v2, $0x4;
	(v2sf) =	vpush v1, $0x0  }
0x78: {  	s24 =	sshra.s32 s28, $0x2;
	(v2sf) =	vpush v63, $0x0  }
0x79: {  	p0 =	sne.s32 s25, $0x1E000;
	s25 =	sadd.s32 $0x2000, s25;
	s21 =	sadd.s32 $0x8400, s24;
	(v2sf) =	vpush v1, $0x1  }
0x7a: {  	s0 =	sadd.s32 $0x680, s24;
	s29 =	sadd.s32 $0x880, s24;
	s7 =	sadd.s32 $0x400, s24  }
0x7b: {  	s19 =	sadd.s32 $0x600, s24;
	s2 =	sadd.s32 $0x8900, s24;
	s12 =	sadd.s32 $0x580, s24;
	(v2sf) =	vpush v63, $0x1  }
0x7c: {  	s23 =	sadd.s32 $0x8580, s24;
	s13 =	sadd.s32 $0x8A00, s24;
	s6 =	sadd.s32 $0x500, s24  }
0x7d: {  	s20 =	sadd.s32 $0x8600, s24;
	s5 =	sadd.s32 $0xA80, s24;
	s22 =	sadd.s32 $0x8480, s24;
	(v2sf) =	vpush v1, $0x2  }
0x7e: {  	s26 =	sadd.s32 $0x8500, s24;
	s18 =	sadd.s32 $0x8680, s24;
	[dreg:$0x14] =	wrdreg s0  }
0x7f: {  	s17 =	sadd.s32 $0x700, s24;
	s8 =	sadd.s32 $0x8980, s24;
	[dreg:$0x8] =	wrdreg s29;
	(v2sf) =	vpush v63, $0x2  }
0x80: {  	s11 =	sadd.s32 $0x8A80, s24;
	s16 =	sadd.s32 $0x8700, s24;
	[dreg:$0x4] =	wrdreg s2  }
0x81: {  	s9 =	sadd.s32 $0x8880, s24;
	s10 =	sadd.s32 $0x900, s24;
	[dreg:$0xe] =	wrdreg s5;
	(v2sf) =	vpush v1, $0x3  }
0x82: {  	s14 =	sadd.s32 $0x8800, s24;
	s28 =	sadd.s32 $0x480, s24;
	[dreg:$0x6] =	wrdreg s8  }
0x83: {  	s15 =	sadd.s32 $0x800, s24;
	s30 =	sadd.s32 $0x10, s30;
	[dreg:$0xc] =	wrdreg s9;
	(v2sf) =	vpush v63, $0x3  }
0x84: {  	s31 =	sadd.s32 $0x10, s31;
	[dreg:$0xa] =	wrdreg s10;
	s8 =	sadd.s32 $0x780, s24  }
0x85: {  	[dreg:$0x10] =	wrdreg s14;
	s5 =	sadd.s32 $0xA00, s24;
	s14 =	sadd.s32 $0x8780, s24;
	(v2sf) =	vpush v1, $0x4  }
0x86: {  	[dreg:$0x12] =	wrdreg s15;
	s2 =	sadd.s32 $0xB00, s24;
	s29 =	spop (v2sf)  }
0x87: {  	s15 =	sadd.s32 $0x8B00, s24;
	s29 =	sand.u32 $0x1FFFFFF0, s29;
	s0 =	spop (v2sf);
	(v2sf) =	vpush v63, $0x4  }
0x88: {  	s29 =	sadd.s32 s3, s29;
	s10 =	sand.u32 $0x1FFFFFF0, s0;
	s0 =	spop (v2sf)  }
0x89: {  	(v2sf) =	vpush v1, $0x5;
	[tilespmem:s7], [sflag:$0x1] =	stream.linear.gather [hbm4b:s29+s1], $0x80, $0x38;
	[tilespmem:$0x10400] =	vst v63  }
0x8a: {  	s10 =	sadd.s32 s4, s10;
	s0 =	sand.u32 $0x1FFFFFF0, s0;
	s29 =	spop (v2sf)  }
0x8b: {  	[tilespmem:s21], [sflag:$0x2] =	stream.linear.gather [hbm4b:s10+s1], $0x80, $0x38;
	[tilespmem:$0x10400] =	vst v63  }
0x8c: {  	(v2sf) =	vpush v63, $0x5;
	s0 =	sadd.s32 s3, s0;
	s21 =	sand.u32 $0x1FFFFFF0, s29;
	s29 =	spop (v2sf)  }
0x8d: {  	[tilespmem:s28], [sflag:$0x3] =	stream.linear.gather [hbm4b:s0+s1], $0x80, $0x38;
	[tilespmem:$0x10400] =	vst v63  }
0x8e: {  	(v2sf) =	vpush v1, $0x6;
	s7 =	sadd.s32 s4, s21;
	s10 =	sand.u32 $0x1FFFFFF0, s29;
	s21 =	spop (v2sf)  }
0x8f: {  	[tilespmem:s22], [sflag:$0x4] =	stream.linear.gather [hbm4b:s7+s1], $0x80, $0x38;
	[tilespmem:$0x10400] =	vst v63  }
0x90: {  	(v2sf) =	vpush v63, $0x6;
	s28 =	sand.u32 $0x1FFFFFF0, s21;
	s29 =	spop (v2sf);
	s22 =	sadd.s32 s3, s10  }
0x91: {  	[tilespmem:s6], [sflag:$0x5] =	stream.linear.gather [hbm4b:s22+s1], $0x80, $0x38;
	[tilespmem:$0x10400] =	vst v63  }
0x92: {  	(v2sf) =	vpush v1, $0x7;
	s21 =	sand.u32 $0x1FFFFFF0, s29;
	s7 =	sadd.s32 s4, s28;
	s22 =	spop (v2sf)  }
0x93: {  	[tilespmem:s26], [sflag:$0x6] =	stream.linear.gather [hbm4b:s7+s1], $0x80, $0x38;
	[tilespmem:$0x10400] =	vst v63  }
0x94: {  	(v2sf) =	vpush v63, $0x7;
	s28 =	sand.u32 $0x1FFFFFF0, s22;
	s29 =	spop (v2sf);
	s26 =	sadd.s32 s3, s21  }
0x95: {  	(v2sf) =	vpush v1, $0x8;
	[tilespmem:s12], [sflag:$0x7] =	stream.linear.gather [hbm4b:s26+s1], $0x80, $0x38;
	[tilespmem:$0x10400] =	vst v63  }
0x96: {  	s9 =	sadd.s32 $0x980, s24;
	s6 =	sadd.s32 s4, s28;
	s12 =	spop (v2sf)  }
0x97: {  	[tilespmem:s23], [sflag:$0x8] =	stream.linear.gather [hbm4b:s6+s1], $0x80, $0x38;
	[tilespmem:$0x10400] =	vst v63  }
0x98: {  	s10 =	smov.u32 s11;
	s11 =	sand.u32 $0x1FFFFFF0, s29;
	s23 =	spop (v2sf)  }
0x99: {  	s21 =	sadd.s32 s3, s11;
	(v2sf) =	vpush v63, $0x8;
	s22 =	sand.u32 $0x1FFFFFF0, s12;
	s28 =	sand.u32 $0x1FFFFFF0, s23  }
0x9a: {  	(v2sf) =	vpush v1, $0x9;
	[tilespmem:s19], [sflag:$0x1] =	stream.linear.gather [hbm4b:s21+s1], $0x80, $0x38;
	[tilespmem:$0x10400] =	vst v63  }
0x9b: {  	s26 =	sadd.s32 s4, s22;
	s29 =	spop (v2sf);
	s11 =	sadd.s32 s3, s28  }
0x9c: {  	[tilespmem:s20], [sflag:$0x2] =	stream.linear.gather [hbm4b:s26+s1], $0x80, $0x38;
	[tilespmem:$0x10400] =	vst v63  }
0x9d: {  	s12 =	sand.u32 $0x1FFFFFF0, s29;
	s19 =	spop (v2sf);
	s20 =	rddreg [dreg:$0x14]  }
0x9e: {  	(v2sf) =	vpush v63, $0x9;
	[tilespmem:s20], [sflag:$0x3] =	stream.linear.gather [hbm4b:s11+s1], $0x80, $0x38;
	[tilespmem:$0x10400] =	vst v63  }
0x9f: {  	s21 =	sadd.s32 s4, s12;
	s22 =	sand.u32 $0x1FFFFFF0, s19;
	s23 =	spop (v2sf)  }
0xa0: {  	(v2sf) =	vpush v1, $0xA;
	[tilespmem:s18], [sflag:$0x4] =	stream.linear.gather [hbm4b:s21+s1], $0x80, $0x38;
	[tilespmem:$0x10400] =	vst v63  }
0xa1: {  	s26 =	sadd.s32 s3, s22;
	s28 =	sand.u32 $0x1FFFFFF0, s23;
	s29 =	spop (v2sf)  }
0xa2: {  	(v2sf) =	vpush v63, $0xA;
	[tilespmem:s17], [sflag:$0x5] =	stream.linear.gather [hbm4b:s26+s1], $0x80, $0x38;
	[tilespmem:$0x10400] =	vst v63  }
0xa3: {  	s11 =	sadd.s32 s4, s28;
	s12 =	sand.u32 $0x1FFFFFF0, s29;
	s17 =	spop (v2sf)  }
0xa4: {  	(v2sf) =	vpush v1, $0xB;
	s18 =	sadd.s32 s3, s12;
	s19 =	sand.u32 $0x1FFFFFF0, s17;
	s20 =	spop (v2sf)  }
0xa5: {  	[tilespmem:s16], [sflag:$0x6] =	stream.linear.gather [hbm4b:s11+s1], $0x80, $0x38;
	[tilespmem:$0x10400] =	vst v63  }
0xa6: {  	s21 =	sadd.s32 s4, s19;
	s22 =	sand.u32 $0x1FFFFFF0, s20;
	s11 =	rddreg [dreg:$0x12]  }
0xa7: {  	[tilespmem:s8], [sflag:$0x7] =	stream.linear.gather [hbm4b:s18+s1], $0x80, $0x38;
	[tilespmem:$0x10400] =	vst v63  }
0xa8: {  	(v2sf) =	vpush v63, $0xB;
	s26 =	sadd.s32 s3, s22;
	s22 =	rddreg [dreg:$0x8];
	s23 =	spop (v2sf)  }
0xa9: {  	(v2sf) =	vpush v1, $0xC;
	s18 =	rddreg [dreg:$0x10];
	s28 =	sand.u32 $0x1FFFFFF0, s23;
	s29 =	spop (v2sf)  }
0xaa: {  	[tilespmem:s14], [sflag:$0x8] =	stream.linear.gather [hbm4b:s21+s1], $0x80, $0x38;
	[tilespmem:$0x10400] =	vst v63  }
0xab: {  	(v2sf) =	vpush v63, $0xC;
	s14 =	rddreg [dreg:$0xe];
	s12 =	sadd.s32 s4, s28;
	s16 =	sand.u32 $0x1FFFFFF0, s29  }
0xac: {  	[tilespmem:s11], [sflag:$0x1] =	stream.linear.gather [hbm4b:s26+s1], $0x80, $0x38;
	[tilespmem:$0x10400] =	vst v63  }
0xad: {  	s17 =	spop (v2sf);
	s29 =	rddreg [dreg:$0xc];
	s19 =	sadd.s32 s3, s16  }
0xae: {  	[tilespmem:s18], [sflag:$0x2] =	stream.linear.gather [hbm4b:s12+s1], $0x80, $0x38;
	[tilespmem:$0x10400] =	vst v63  }
0xaf: {  	s20 =	sand.u32 $0x1FFFFFF0, s17;
	s17 =	rddreg [dreg:$0xa];
	s21 =	spop (v2sf)  }
0xb0: {  	[tilespmem:s22], [sflag:$0x3] =	stream.linear.gather [hbm4b:s19+s1], $0x80, $0x38;
	[tilespmem:$0x10400] =	vst v63  }
0xb1: {  	s23 =	sadd.s32 s4, s20;
	s26 =	sand.u32 $0x1FFFFFF0, s21;
	s28 =	spop (v2sf)  }
0xb2: {  	[tilespmem:s29], [sflag:$0x4] =	stream.linear.gather [hbm4b:s23+s1], $0x80, $0x38;
	[tilespmem:$0x10400] =	vst v63  }
0xb3: {  	s11 =	sadd.s32 s3, s26;
	s12 =	sand.u32 $0x1FFFFFF0, s28;
	s16 =	spop (v2sf)  }
0xb4: {  	[tilespmem:s17], [sflag:$0x5] =	stream.linear.gather [hbm4b:s11+s1], $0x80, $0x38;
	[tilespmem:$0x10400] =	vst v63  }
0xb5: {  	s21 =	rddreg [dreg:$0x4];
	s18 =	sadd.s32 s4, s12;
	s19 =	sand.u32 $0x1FFFFFF0, s16  }
0xb6: {  	(v2sf) =	vpush v1, $0xD;
	[tilespmem:s21], [sflag:$0x6] =	stream.linear.gather [hbm4b:s18+s1], $0x80, $0x38;
	[tilespmem:$0x10400] =	vst v63  }
.Ltmp0:
0xb7: {  	(v2sf) =	vpush v63, $0xD;
	s22 =	sadd.s32 s3, s19;
	s20 =	spop (v2sf);
	(pc) =	sbr.rel @p0 .LBB2_2-.Ltmp0, $4  }
0xb8: {  	(v2sf) =	vpush v1, $0xE;
	s29 =	rddreg [dreg:$0x6];
	s23 =	sand.u32 $0x1FFFFFF0, s20;
	s26 =	spop (v2sf)  }
0xb9: {  	(v2sf) =	vpush v63, $0xE;
	[tilespmem:s9], [sflag:$0x7] =	stream.linear.gather [hbm4b:s22+s1], $0x80, $0x38;
	[tilespmem:$0x10400] =	vst v63  }
0xba: {  	(v2sf) =	vpush v1, $0xF;
	s28 =	sadd.s32 s4, s23;
	s6 =	sand.u32 $0x1FFFFFF0, s26;
	s8 =	spop (v2sf)  }
0xbb: {  	(v2sf) =	vpush v63, $0xF;
	[tilespmem:s29], [sflag:$0x8] =	stream.linear.gather [hbm4b:s28+s1], $0x80, $0x38;
	[tilespmem:$0x10400] =	vst v63  }
0xbc: {  	_ =	sdelay $0x4  }
0xbd: {  	s0 =	sadd.s32 s3, s6;
	s12 =	sand.u32 $0x1FFFFFF0, s8  }
0xbe: {  	[tilespmem:s5], [sflag:$0x1] =	stream.linear.gather [hbm4b:s0+s1], $0x80, $0x38;
	[tilespmem:$0x10400] =	vst v63  }
0xbf: {  	s16 =	sadd.s32 s4, s12  }
0xc0: {  	[tilespmem:s13], [sflag:$0x2] =	stream.linear.gather [hbm4b:s16+s1], $0x80, $0x38;
	[tilespmem:$0x10400] =	vst v63  }
0xc1: {  	s7 =	spop (v2sf)  }
0xc2: {  	s17 =	sand.u32 $0x1FFFFFF0, s7;
	s18 =	spop (v2sf)  }
0xc3: {  	s19 =	sadd.s32 s3, s17;
	s20 =	sand.u32 $0x1FFFFFF0, s18;
	s21 =	spop (v2sf)  }
0xc4: {  	[tilespmem:s14], [sflag:$0x3] =	stream.linear.gather [hbm4b:s19+s1], $0x80, $0x38;
	[tilespmem:$0x10400] =	vst v63  }
0xc5: {  	s22 =	sadd.s32 s4, s20;
	s23 =	sand.u32 $0x1FFFFFF0, s21;
	s25 =	spop (v2sf)  }
0xc6: {  	[tilespmem:s10], [sflag:$0x4] =	stream.linear.gather [hbm4b:s22+s1], $0x80, $0x38;
	[tilespmem:$0x10400] =	vst v63  }
0xc7: {  	s26 =	sadd.s32 s3, s23;
	s28 =	sand.u32 $0x1FFFFFF0, s25;
	s29 =	spop (v2sf)  }
0xc8: {  	[tilespmem:s2], [sflag:$0x5] =	stream.linear.gather [hbm4b:s26+s1], $0x80, $0x38;
	[tilespmem:$0x10400] =	vst v63  }
0xc9: {  	s5 =	sadd.s32 s4, s28;
	s6 =	sand.u32 $0x1FFFFFF0, s29;
	s7 =	spop (v2sf)  }
0xca: {  	[tilespmem:s15], [sflag:$0x6] =	stream.linear.gather [hbm4b:s5+s1], $0x80, $0x38;
	[tilespmem:$0x10400] =	vst v63  }
0xcb: {  	s8 =	sadd.s32 $0xB80, s24;
	s2 =	sadd.s32 s3, s6;
	s5 =	sand.u32 $0x1FFFFFF0, s7  }
0xcc: {  	[tilespmem:s8], [sflag:$0x7] =	stream.linear.gather [hbm4b:s2+s1], $0x80, $0x38;
	[tilespmem:$0x10400] =	vst v63  }
0xcd: {  	s9 =	sadd.s32 $0x8B80, s24;
	s11 =	simm.s32 $0x1;
	s10 =	sadd.s32 s4, s5  }
0xce: {  	[tilespmem:s9], [sflag:$0x8] =	stream.linear.gather [hbm4b:s10+s1], $0x80, $0x38;
	[tilespmem:$0x10400] =	vst v63  }
0xcf: {  	_ =	swait.ge [sflag:s11], $0x2000  }
0xd0: {  	[sflag:s11] =	ssyncset.done $0x0  }
0xd1: {  	s12 =	simm.s32 $0x2;
	[sflag:s11] =	ssyncadd.s32 $0xFFFFE000  }
0xd2: {  	_ =	swait.ge [sflag:s12], $0x2000  }
0xd3: {  	[sflag:s12] =	ssyncset.done $0x0  }
0xd4: {  	s13 =	simm.s32 $0x3;
	[sflag:s12] =	ssyncadd.s32 $0xFFFFE000  }
0xd5: {  	_ =	swait.ge [sflag:s13], $0x2000  }
0xd6: {  	[sflag:s13] =	ssyncset.done $0x0  }
0xd7: {  	s14 =	simm.s32 $0x4;
	[sflag:s13] =	ssyncadd.s32 $0xFFFFE000  }
0xd8: {  	_ =	swait.ge [sflag:s14], $0x2000  }
0xd9: {  	[sflag:s14] =	ssyncset.done $0x0  }
0xda: {  	s15 =	simm.s32 $0x5;
	[sflag:s14] =	ssyncadd.s32 $0xFFFFE000  }
0xdb: {  	_ =	swait.ge [sflag:s15], $0x2000  }
0xdc: {  	[sflag:s15] =	ssyncset.done $0x0  }
0xdd: {  	s16 =	simm.s32 $0x6;
	[sflag:s15] =	ssyncadd.s32 $0xFFFFE000  }
0xde: {  	_ =	swait.ge [sflag:s16], $0x2000  }
0xdf: {  	[sflag:s16] =	ssyncset.done $0x0  }
0xe0: {  	s17 =	simm.s32 $0x7;
	[sflag:s16] =	ssyncadd.s32 $0xFFFFE000  }
0xe1: {  	_ =	swait.ge [sflag:s17], $0x2000  }
0xe2: {  	[sflag:s17] =	ssyncset.done $0x0  }
0xe3: {  	s18 =	simm.s32 $0x8;
	[sflag:s17] =	ssyncadd.s32 $0xFFFFE000  }
0xe4: {  	_ =	swait.ge [sflag:s18], $0x2000  }
0xe5: {  	s19 =	simm.s32 $0x0;
	s21 =	simm.s32 $0x400;
	[sflag:s18] =	ssyncset.done $0x0  }
0xe6: {  	s22 =	simm.s32 $0x9;
	s20 =	rddreg [dreg:$0x18];
	[sflag:s18] =	ssyncadd.s32 $0xFFFFE000  }
0xe7: {  	[hbm4b:s20+s19] =	stream.linear.scatter [tilespmem:s21], [sflag:$0x9], $0x8000, $0x38;
	[tilespmem:$0x10400] =	vst v63  }
0xe8: {  	_ =	swait.ge [sflag:s22], $0x8000  }
0xe9: {  	[sflag:s22] =	ssyncset.done $0x0  }
0xea: {  	s24 =	simm.s32 $0x8400;
	s23 =	rddreg [dreg:$0x19];
	[sflag:s22] =	ssyncadd.s32 $0xFFFF8000  }
0xeb: {  	[hbm4b:s23+s19] =	stream.linear.scatter [tilespmem:s24], [sflag:$0x9], $0x8000, $0x38;
	[tilespmem:$0x10400] =	vst v63  }
0xec: {  	_ =	swait.ge [sflag:s22], $0x8000  }
0xed: {  	[sflag:s22] =	ssyncset.done $0x0  }
0xee: {  	s25 =	simm.s32 $0x100;
	[sflag:s22] =	ssyncadd.s32 $0xFFFF8000  }
0xef: {  	v0 =	vld [tilespmem:s25+$0x0]  }
0xf0: {  	s26 =	simm.s32 $0x300  }
0xf1: {  	v2 =	vld [tilespmem:s26+$0x0];
	_ =	sdelay $0x2  }
0xf2: {  	v1 =	vshll.u32 v0, $0x4  }
0xf3: {  	(v2sf) =	vpush v1, $0x0  }
0xf4: {  	v63 =	vshll.u32 v2, $0x4  }
0xf5: {  	(v2sf) =	vpush v63, $0x0;
	_ =	sdelay $0x1  }
0xf6: {  	(v2sf) =	vpush v1, $0x1  }
0xf7: {  	(v2sf) =	vpush v63, $0x1;
	_ =	sdelay $0x1  }
0xf8: {  	(v2sf) =	vpush v1, $0x2;
	_ =	sdelay $0x1  }
0xf9: {  	(v2sf) =	vpush v63, $0x2;
	_ =	sdelay $0x1  }
0xfa: {  	s30 =	simm.s32 $0x110;
	(v2sf) =	vpush v1, $0x3  }
0xfb: {  	s31 =	simm.s32 $0x310;
	s0 =	simm.s32 $0x8900;
	s28 =	simm.s32 $0x8400  }
0xfc: {  	s29 =	simm.s32 $0x400;
	s5 =	simm.s32 $0x680;
	s2 =	simm.s32 $0x880;
	(v2sf) =	vpush v63, $0x3  }
0xfd: {  	s9 =	simm.s32 $0x600;
	s10 =	simm.s32 $0x580;
	s15 =	simm.s32 $0x480  }
0xfe: {  	s18 =	simm.s32 $0x8480;
	s20 =	simm.s32 $0x500;
	s12 =	spop (v2sf)  }
0xff: {  	s24 =	simm.s32 $0x0;
	s23 =	simm.s32 $0x8500;
	s8 =	sand.u32 $0x1FFFFFF0, s12  }
0x100: {  	s25 =	simm.s32 $0x2000;
	(v2sf) =	vpush v1, $0x4;
	s11 =	spop (v2sf);
	s8 =	sadd.s32 s3, s8  }
0x101: {  	[tilespmem:s29], [sflag:$0x1] =	stream.linear.gather [hbm4b:s8+s1], $0x80, $0x38;
	[tilespmem:$0x10400] =	vst v63  }
0x102: {  	s13 =	sand.u32 $0x1FFFFFF0, s11;
	s14 =	spop (v2sf);
	s8 =	simm.s32 $0x8580  }
0x103: {  	(v2sf) =	vpush v63, $0x4;
	s7 =	sadd.s32 s4, s13;
	s11 =	sand.u32 $0x1FFFFFF0, s14;
	s12 =	spop (v2sf)  }
0x104: {  	(v2sf) =	vpush v1, $0x5;
	[tilespmem:s28], [sflag:$0x2] =	stream.linear.gather [hbm4b:s7+s1], $0x80, $0x38;
	[tilespmem:$0x10400] =	vst v63  }
0x105: {  	s16 =	sadd.s32 s3, s11;
	s17 =	sand.u32 $0x1FFFFFF0, s12;
	s19 =	spop (v2sf)  }
0x106: {  	(v2sf) =	vpush v63, $0x5;
	[tilespmem:s15], [sflag:$0x3] =	stream.linear.gather [hbm4b:s16+s1], $0x80, $0x38;
	[tilespmem:$0x10400] =	vst v63  }
0x107: {  	s11 =	sadd.s32 s4, s17;
	(v2sf) =	vpush v1, $0x6;
	s7 =	sand.u32 $0x1FFFFFF0, s19;
	s21 =	spop (v2sf)  }
0x108: {  	[tilespmem:s18], [sflag:$0x4] =	stream.linear.gather [hbm4b:s11+s1], $0x80, $0x38;
	[tilespmem:$0x10400] =	vst v63  }
0x109: {  	s7 =	sadd.s32 s3, s7;
	s22 =	spop (v2sf);
	s11 =	sand.u32 $0x1FFFFFF0, s21  }
0x10a: {  	(v2sf) =	vpush v63, $0x6;
	[tilespmem:s20], [sflag:$0x5] =	stream.linear.gather [hbm4b:s7+s1], $0x80, $0x38;
	[tilespmem:$0x10400] =	vst v63  }
0x10b: {  	s28 =	sand.u32 $0x1FFFFFF0, s22;
	s29 =	spop (v2sf);
	s26 =	sadd.s32 s4, s11  }
0x10c: {  	(v2sf) =	vpush v1, $0x7;
	[tilespmem:s23], [sflag:$0x6] =	stream.linear.gather [hbm4b:s26+s1], $0x80, $0x38;
	[tilespmem:$0x10400] =	vst v63  }
0x10d: {  	s13 =	simm.s32 $0x8A00;
	s14 =	simm.s32 $0xA80;
	(v2sf) =	vpush v63, $0x7;
	s11 =	sadd.s32 s3, s28  }
0x10e: {  	[tilespmem:s10], [sflag:$0x7] =	stream.linear.gather [hbm4b:s11+s1], $0x80, $0x38;
	[tilespmem:$0x10400] =	vst v63  }
0x10f: {  	s19 =	simm.s32 $0x8680;
	s6 =	sand.u32 $0x1FFFFFF0, s29;
	s15 =	spop (v2sf)  }
0x110: {  	s6 =	sadd.s32 s4, s6;
	s21 =	simm.s32 $0x700;
	s11 =	sand.u32 $0x1FFFFFF0, s15  }
0x111: {  	[tilespmem:s8], [sflag:$0x8] =	stream.linear.gather [hbm4b:s6+s1], $0x80, $0x38;
	[tilespmem:$0x10400] =	vst v63  }
0x112: {  	s7 =	simm.s32 $0x8600;
	s16 =	spop (v2sf);
	s17 =	sadd.s32 s3, s11  }
0x113: {  	(v2sf) =	vpush v1, $0x8;
	s18 =	sand.u32 $0x1FFFFFF0, s16;
	s11 =	simm.s32 $0x8700;
	s20 =	spop (v2sf)  }
0x114: {  	[tilespmem:s9], [sflag:$0x1] =	stream.linear.gather [hbm4b:s17+s1], $0x80, $0x38;
	[tilespmem:$0x10400] =	vst v63  }
0x115: {  	(v2sf) =	vpush v63, $0x8;
	s16 =	simm.s32 $0x780;
	s8 =	sadd.s32 s4, s18;
	s22 =	spop (v2sf)  }
0x116: {  	s6 =	sand.u32 $0x1FFFFFF0, s20;
	s10 =	sand.u32 $0x1FFFFFF0, s22;
	s23 =	spop (v2sf)  }
0x117: {  	(v2sf) =	vpush v1, $0x9;
	[tilespmem:s7], [sflag:$0x2] =	stream.linear.gather [hbm4b:s8+s1], $0x80, $0x38;
	[tilespmem:$0x10400] =	vst v63  }
0x118: {  	s6 =	sadd.s32 s3, s6;
	s26 =	sadd.s32 s4, s10;
	s28 =	sand.u32 $0x1FFFFFF0, s23  }
0x119: {  	(v2sf) =	vpush v63, $0x9;
	s10 =	simm.s32 $0x8A80;
	s29 =	spop (v2sf);
	s7 =	sadd.s32 s3, s28  }
0x11a: {  	[tilespmem:s5], [sflag:$0x3] =	stream.linear.gather [hbm4b:s6+s1], $0x80, $0x38;
	[tilespmem:$0x10400] =	vst v63  }
0x11b: {  	(v2sf) =	vpush v1, $0xA;
	s12 =	spop (v2sf);
	s6 =	simm.s32 $0x8980;
	s5 =	sand.u32 $0x1FFFFFF0, s29  }
0x11c: {  	s9 =	sand.u32 $0x1FFFFFF0, s12;
	s15 =	spop (v2sf);
	s12 =	simm.s32 $0x900  }
0x11d: {  	(v2sf) =	vpush v63, $0xA;
	[tilespmem:s19], [sflag:$0x4] =	stream.linear.gather [hbm4b:s26+s1], $0x80, $0x38;
	[tilespmem:$0x10400] =	vst v63  }
0x11e: {  	s5 =	sadd.s32 s4, s5;
	s17 =	sadd.s32 s3, s9;
	s18 =	sand.u32 $0x1FFFFFF0, s15  }
0x11f: {  	(v2sf) =	vpush v1, $0xB;
	[tilespmem:s21], [sflag:$0x5] =	stream.linear.gather [hbm4b:s7+s1], $0x80, $0x38;
	[tilespmem:$0x10400] =	vst v63  }
0x120: {  	s19 =	simm.s32 $0x8780;
	s9 =	sadd.s32 s4, s18;
	s26 =	simm.s32 $0x8800  }
0x121: {  	(v2sf) =	vpush v63, $0xB;
	[tilespmem:s11], [sflag:$0x6] =	stream.linear.gather [hbm4b:s5+s1], $0x80, $0x38;
	[tilespmem:$0x10400] =	vst v63  }
0x122: {  	s21 =	simm.s32 $0x800;
	s7 =	simm.s32 $0x8880;
	s20 =	spop (v2sf)  }
0x123: {  	[tilespmem:s16], [sflag:$0x7] =	stream.linear.gather [hbm4b:s17+s1], $0x80, $0x38;
	[tilespmem:$0x10400] =	vst v63  }
0x124: {  	s5 =	simm.s32 $0xA00;
	s8 =	sand.u32 $0x1FFFFFF0, s20;
	s22 =	spop (v2sf)  }
0x125: {  	(v2sf) =	vpush v1, $0xC;
	[tilespmem:s19], [sflag:$0x8] =	stream.linear.gather [hbm4b:s9+s1], $0x80, $0x38;
	[tilespmem:$0x10400] =	vst v63  }
0x126: {  	s8 =	sadd.s32 s3, s8;
	s9 =	sand.u32 $0x1FFFFFF0, s22;
	s23 =	spop (v2sf)  }
0x127: {  	(v2sf) =	vpush v63, $0xC;
	[tilespmem:s21], [sflag:$0x1] =	stream.linear.gather [hbm4b:s8+s1], $0x80, $0x38;
	[tilespmem:$0x10400] =	vst v63  }
0x128: {  	s28 =	sadd.s32 s4, s9;
	s29 =	sand.u32 $0x1FFFFFF0, s23;
	s11 =	spop (v2sf)  }
0x129: {  	[tilespmem:s26], [sflag:$0x2] =	stream.linear.gather [hbm4b:s28+s1], $0x80, $0x38;
	[tilespmem:$0x10400] =	vst v63  }
0x12a: {  	s9 =	sadd.s32 s3, s29;
	s8 =	sand.u32 $0x1FFFFFF0, s11;
	s15 =	spop (v2sf)  }
0x12b: {  	[tilespmem:s2], [sflag:$0x3] =	stream.linear.gather [hbm4b:s9+s1], $0x80, $0x38;
	[tilespmem:$0x10400] =	vst v63  }
0x12c: {  	s8 =	sadd.s32 s4, s8;
	s16 =	spop (v2sf);
	s9 =	sand.u32 $0x1FFFFFF0, s15  }
0x12d: {  	[tilespmem:s7], [sflag:$0x4] =	stream.linear.gather [hbm4b:s8+s1], $0x80, $0x38;
	[tilespmem:$0x10400] =	vst v63  }
0x12e: {  	s18 =	sand.u32 $0x1FFFFFF0, s16;
	s19 =	spop (v2sf);
	s17 =	sadd.s32 s3, s9  }
0x12f: {  	[tilespmem:s12], [sflag:$0x5] =	stream.linear.gather [hbm4b:s17+s1], $0x80, $0x38;
	[tilespmem:$0x10400] =	vst v63  }
0x130: {  	s20 =	sadd.s32 s4, s18;
	s21 =	sand.u32 $0x1FFFFFF0, s19;
	s22 =	spop (v2sf)  }
0x131: {  	(v2sf) =	vpush v1, $0xD;
	[tilespmem:s0], [sflag:$0x6] =	stream.linear.gather [hbm4b:s20+s1], $0x80, $0x38;
	[tilespmem:$0x10400] =	vst v63  }
0x132: {  	s23 =	simm.s32 $0x980;
	(v2sf) =	vpush v63, $0xD;
	s26 =	sadd.s32 s3, s21;
	s8 =	sand.u32 $0x1FFFFFF0, s22  }
0x133: {  	(v2sf) =	vpush v1, $0xE;
	[tilespmem:s23], [sflag:$0x7] =	stream.linear.gather [hbm4b:s26+s1], $0x80, $0x38;
	[tilespmem:$0x10400] =	vst v63  }
0x134: {  	s2 =	simm.s32 $0xB00;
	(v2sf) =	vpush v63, $0xE;
	s28 =	sadd.s32 s4, s8;
	s29 =	spop (v2sf)  }
0x135: {  	(v2sf) =	vpush v1, $0xF;
	[tilespmem:s6], [sflag:$0x8] =	stream.linear.gather [hbm4b:s28+s1], $0x80, $0x38;
	[tilespmem:$0x10400] =	vst v63  }
0x136: {  	s15 =	simm.s32 $0x8B00;
	(v2sf) =	vpush v63, $0xF;
	s8 =	sand.u32 $0x1FFFFFF0, s29;
	s6 =	spop (v2sf)  }
.LBB2_4:
0x137: {  	_ =	sdelay $0x4  }
0x138: {  	s8 =	sadd.s32 s3, s8;
	s6 =	sand.u32 $0x1FFFFFF0, s6  }
0x139: {  	[tilespmem:s5], [sflag:$0x1] =	stream.linear.gather [hbm4b:s8+s1], $0x80, $0x38;
	[tilespmem:$0x10400] =	vst v63  }
0x13a: {  	s29 =	sadd.s32 s4, s6  }
0x13b: {  	[tilespmem:s13], [sflag:$0x2] =	stream.linear.gather [hbm4b:s29+s1], $0x80, $0x38;
	[tilespmem:$0x10400] =	vst v63  }
0x13c: {  	s9 =	spop (v2sf)  }
0x13d: {  	s0 =	sand.u32 $0x1FFFFFF0, s9;
	s7 =	spop (v2sf)  }
0x13e: {  	s9 =	sadd.s32 s3, s0;
	s11 =	sand.u32 $0x1FFFFFF0, s7;
	s7 =	spop (v2sf)  }
0x13f: {  	[tilespmem:s14], [sflag:$0x3] =	stream.linear.gather [hbm4b:s9+s1], $0x80, $0x38;
	[tilespmem:$0x10400] =	vst v63  }
0x140: {  	s12 =	sadd.s32 s4, s11;
	s13 =	sand.u32 $0x1FFFFFF0, s7;
	s14 =	spop (v2sf)  }
0x141: {  	[tilespmem:s10], [sflag:$0x4] =	stream.linear.gather [hbm4b:s12+s1], $0x80, $0x38;
	[tilespmem:$0x10400] =	vst v63  }
0x142: {  	s16 =	sadd.s32 s3, s13;
	s17 =	sand.u32 $0x1FFFFFF0, s14;
	s18 =	spop (v2sf)  }
0x143: {  	[tilespmem:s2], [sflag:$0x5] =	stream.linear.gather [hbm4b:s16+s1], $0x80, $0x38;
	[tilespmem:$0x10400] =	vst v63  }
0x144: {  	s19 =	sadd.s32 s4, s17;
	s20 =	sand.u32 $0x1FFFFFF0, s18;
	s21 =	spop (v2sf)  }
0x145: {  	[tilespmem:s15], [sflag:$0x6] =	stream.linear.gather [hbm4b:s19+s1], $0x80, $0x38;
	[tilespmem:$0x10400] =	vst v63  }
0x146: {  	s0 =	sadd.s32 $0xB80, s24;
	s22 =	sadd.s32 s3, s20;
	s23 =	sand.u32 $0x1FFFFFF0, s21  }
0x147: {  	[tilespmem:s0], [sflag:$0x7] =	stream.linear.gather [hbm4b:s22+s1], $0x80, $0x38;
	[tilespmem:$0x10400] =	vst v63  }
0x148: {  	s24 =	sadd.s32 $0x8B80, s24;
	s26 =	sadd.s32 s4, s23  }
0x149: {  	[tilespmem:s24], [sflag:$0x8] =	stream.linear.gather [hbm4b:s26+s1], $0x80, $0x38;
	[tilespmem:$0x10400] =	vst v63  }
0x14a: {  	v0 =	vld [tilespmem:s30+$0x0]  }
0x14b: {  	v2 =	vld [tilespmem:s31+$0x0];
	_ =	sdelay $0x3  }
0x14c: {  	v1 =	vshll.u32 v0, $0x4  }
0x14d: {  	s28 =	smov.u32 s25;
	v63 =	vshll.u32 v2, $0x4;
	(v2sf) =	vpush v1, $0x0  }
0x14e: {  	s24 =	sshra.s32 s28, $0x2;
	(v2sf) =	vpush v63, $0x0  }
0x14f: {  	p0 =	sne.s32 s25, $0x1E000;
	s25 =	sadd.s32 $0x2000, s25;
	s21 =	sadd.s32 $0x8400, s24;
	(v2sf) =	vpush v1, $0x1  }
0x150: {  	s0 =	sadd.s32 $0x680, s24;
	s29 =	sadd.s32 $0x880, s24;
	s7 =	sadd.s32 $0x400, s24  }
0x151: {  	s19 =	sadd.s32 $0x600, s24;
	s2 =	sadd.s32 $0x8900, s24;
	s12 =	sadd.s32 $0x580, s24;
	(v2sf) =	vpush v63, $0x1  }
0x152: {  	s23 =	sadd.s32 $0x8580, s24;
	s13 =	sadd.s32 $0x8A00, s24;
	s6 =	sadd.s32 $0x500, s24  }
0x153: {  	s20 =	sadd.s32 $0x8600, s24;
	s5 =	sadd.s32 $0xA80, s24;
	s22 =	sadd.s32 $0x8480, s24;
	(v2sf) =	vpush v1, $0x2  }
0x154: {  	s26 =	sadd.s32 $0x8500, s24;
	s18 =	sadd.s32 $0x8680, s24;
	[dreg:$0x15] =	wrdreg s0  }
0x155: {  	s17 =	sadd.s32 $0x700, s24;
	s8 =	sadd.s32 $0x8980, s24;
	[dreg:$0x9] =	wrdreg s29;
	(v2sf) =	vpush v63, $0x2  }
0x156: {  	s11 =	sadd.s32 $0x8A80, s24;
	s16 =	sadd.s32 $0x8700, s24;
	[dreg:$0x5] =	wrdreg s2  }
0x157: {  	s9 =	sadd.s32 $0x8880, s24;
	s10 =	sadd.s32 $0x900, s24;
	[dreg:$0xf] =	wrdreg s5;
	(v2sf) =	vpush v1, $0x3  }
0x158: {  	s14 =	sadd.s32 $0x8800, s24;
	s28 =	sadd.s32 $0x480, s24;
	[dreg:$0x7] =	wrdreg s8  }
0x159: {  	s15 =	sadd.s32 $0x800, s24;
	s30 =	sadd.s32 $0x10, s30;
	[dreg:$0xd] =	wrdreg s9;
	(v2sf) =	vpush v63, $0x3  }
0x15a: {  	s31 =	sadd.s32 $0x10, s31;
	[dreg:$0xb] =	wrdreg s10;
	s8 =	sadd.s32 $0x780, s24  }
0x15b: {  	[dreg:$0x11] =	wrdreg s14;
	s5 =	sadd.s32 $0xA00, s24;
	s14 =	sadd.s32 $0x8780, s24;
	(v2sf) =	vpush v1, $0x4  }
0x15c: {  	[dreg:$0x13] =	wrdreg s15;
	s2 =	sadd.s32 $0xB00, s24;
	s29 =	spop (v2sf)  }
0x15d: {  	s15 =	sadd.s32 $0x8B00, s24;
	s29 =	sand.u32 $0x1FFFFFF0, s29;
	s0 =	spop (v2sf);
	(v2sf) =	vpush v63, $0x4  }
0x15e: {  	s29 =	sadd.s32 s3, s29;
	s10 =	sand.u32 $0x1FFFFFF0, s0;
	s0 =	spop (v2sf)  }
0x15f: {  	(v2sf) =	vpush v1, $0x5;
	[tilespmem:s7], [sflag:$0x1] =	stream.linear.gather [hbm4b:s29+s1], $0x80, $0x38;
	[tilespmem:$0x10400] =	vst v63  }
0x160: {  	s10 =	sadd.s32 s4, s10;
	s0 =	sand.u32 $0x1FFFFFF0, s0;
	s29 =	spop (v2sf)  }
0x161: {  	[tilespmem:s21], [sflag:$0x2] =	stream.linear.gather [hbm4b:s10+s1], $0x80, $0x38;
	[tilespmem:$0x10400] =	vst v63  }
0x162: {  	(v2sf) =	vpush v63, $0x5;
	s0 =	sadd.s32 s3, s0;
	s21 =	sand.u32 $0x1FFFFFF0, s29;
	s29 =	spop (v2sf)  }
0x163: {  	[tilespmem:s28], [sflag:$0x3] =	stream.linear.gather [hbm4b:s0+s1], $0x80, $0x38;
	[tilespmem:$0x10400] =	vst v63  }
0x164: {  	(v2sf) =	vpush v1, $0x6;
	s7 =	sadd.s32 s4, s21;
	s10 =	sand.u32 $0x1FFFFFF0, s29;
	s21 =	spop (v2sf)  }
0x165: {  	[tilespmem:s22], [sflag:$0x4] =	stream.linear.gather [hbm4b:s7+s1], $0x80, $0x38;
	[tilespmem:$0x10400] =	vst v63  }
0x166: {  	(v2sf) =	vpush v63, $0x6;
	s28 =	sand.u32 $0x1FFFFFF0, s21;
	s29 =	spop (v2sf);
	s22 =	sadd.s32 s3, s10  }
0x167: {  	[tilespmem:s6], [sflag:$0x5] =	stream.linear.gather [hbm4b:s22+s1], $0x80, $0x38;
	[tilespmem:$0x10400] =	vst v63  }
0x168: {  	(v2sf) =	vpush v1, $0x7;
	s21 =	sand.u32 $0x1FFFFFF0, s29;
	s7 =	sadd.s32 s4, s28;
	s22 =	spop (v2sf)  }
0x169: {  	[tilespmem:s26], [sflag:$0x6] =	stream.linear.gather [hbm4b:s7+s1], $0x80, $0x38;
	[tilespmem:$0x10400] =	vst v63  }
0x16a: {  	(v2sf) =	vpush v63, $0x7;
	s28 =	sand.u32 $0x1FFFFFF0, s22;
	s29 =	spop (v2sf);
	s26 =	sadd.s32 s3, s21  }
0x16b: {  	(v2sf) =	vpush v1, $0x8;
	[tilespmem:s12], [sflag:$0x7] =	stream.linear.gather [hbm4b:s26+s1], $0x80, $0x38;
	[tilespmem:$0x10400] =	vst v63  }
0x16c: {  	s9 =	sadd.s32 $0x980, s24;
	s6 =	sadd.s32 s4, s28;
	s12 =	spop (v2sf)  }
0x16d: {  	[tilespmem:s23], [sflag:$0x8] =	stream.linear.gather [hbm4b:s6+s1], $0x80, $0x38;
	[tilespmem:$0x10400] =	vst v63  }
0x16e: {  	s10 =	smov.u32 s11;
	s11 =	sand.u32 $0x1FFFFFF0, s29;
	s23 =	spop (v2sf)  }
0x16f: {  	s21 =	sadd.s32 s3, s11;
	(v2sf) =	vpush v63, $0x8;
	s22 =	sand.u32 $0x1FFFFFF0, s12;
	s28 =	sand.u32 $0x1FFFFFF0, s23  }
0x170: {  	(v2sf) =	vpush v1, $0x9;
	[tilespmem:s19], [sflag:$0x1] =	stream.linear.gather [hbm4b:s21+s1], $0x80, $0x38;
	[tilespmem:$0x10400] =	vst v63  }
0x171: {  	s26 =	sadd.s32 s4, s22;
	s29 =	spop (v2sf);
	s11 =	sadd.s32 s3, s28  }
0x172: {  	[tilespmem:s20], [sflag:$0x2] =	stream.linear.gather [hbm4b:s26+s1], $0x80, $0x38;
	[tilespmem:$0x10400] =	vst v63  }
0x173: {  	s12 =	sand.u32 $0x1FFFFFF0, s29;
	s19 =	spop (v2sf);
	s20 =	rddreg [dreg:$0x15]  }
0x174: {  	(v2sf) =	vpush v63, $0x9;
	[tilespmem:s20], [sflag:$0x3] =	stream.linear.gather [hbm4b:s11+s1], $0x80, $0x38;
	[tilespmem:$0x10400] =	vst v63  }
0x175: {  	s21 =	sadd.s32 s4, s12;
	s22 =	sand.u32 $0x1FFFFFF0, s19;
	s23 =	spop (v2sf)  }
0x176: {  	(v2sf) =	vpush v1, $0xA;
	[tilespmem:s18], [sflag:$0x4] =	stream.linear.gather [hbm4b:s21+s1], $0x80, $0x38;
	[tilespmem:$0x10400] =	vst v63  }
0x177: {  	s26 =	sadd.s32 s3, s22;
	s28 =	sand.u32 $0x1FFFFFF0, s23;
	s29 =	spop (v2sf)  }
0x178: {  	(v2sf) =	vpush v63, $0xA;
	[tilespmem:s17], [sflag:$0x5] =	stream.linear.gather [hbm4b:s26+s1], $0x80, $0x38;
	[tilespmem:$0x10400] =	vst v63  }
0x179: {  	s11 =	sadd.s32 s4, s28;
	s12 =	sand.u32 $0x1FFFFFF0, s29;
	s17 =	spop (v2sf)  }
0x17a: {  	(v2sf) =	vpush v1, $0xB;
	s18 =	sadd.s32 s3, s12;
	s19 =	sand.u32 $0x1FFFFFF0, s17;
	s20 =	spop (v2sf)  }
0x17b: {  	[tilespmem:s16], [sflag:$0x6] =	stream.linear.gather [hbm4b:s11+s1], $0x80, $0x38;
	[tilespmem:$0x10400] =	vst v63  }
0x17c: {  	s21 =	sadd.s32 s4, s19;
	s22 =	sand.u32 $0x1FFFFFF0, s20;
	s11 =	rddreg [dreg:$0x13]  }
0x17d: {  	[tilespmem:s8], [sflag:$0x7] =	stream.linear.gather [hbm4b:s18+s1], $0x80, $0x38;
	[tilespmem:$0x10400] =	vst v63  }
0x17e: {  	(v2sf) =	vpush v63, $0xB;
	s26 =	sadd.s32 s3, s22;
	s22 =	rddreg [dreg:$0x9];
	s23 =	spop (v2sf)  }
0x17f: {  	(v2sf) =	vpush v1, $0xC;
	s18 =	rddreg [dreg:$0x11];
	s28 =	sand.u32 $0x1FFFFFF0, s23;
	s29 =	spop (v2sf)  }
0x180: {  	[tilespmem:s14], [sflag:$0x8] =	stream.linear.gather [hbm4b:s21+s1], $0x80, $0x38;
	[tilespmem:$0x10400] =	vst v63  }
0x181: {  	(v2sf) =	vpush v63, $0xC;
	s14 =	rddreg [dreg:$0xf];
	s12 =	sadd.s32 s4, s28;
	s16 =	sand.u32 $0x1FFFFFF0, s29  }
0x182: {  	[tilespmem:s11], [sflag:$0x1] =	stream.linear.gather [hbm4b:s26+s1], $0x80, $0x38;
	[tilespmem:$0x10400] =	vst v63  }
0x183: {  	s17 =	spop (v2sf);
	s29 =	rddreg [dreg:$0xd];
	s19 =	sadd.s32 s3, s16  }
0x184: {  	[tilespmem:s18], [sflag:$0x2] =	stream.linear.gather [hbm4b:s12+s1], $0x80, $0x38;
	[tilespmem:$0x10400] =	vst v63  }
0x185: {  	s20 =	sand.u32 $0x1FFFFFF0, s17;
	s17 =	rddreg [dreg:$0xb];
	s21 =	spop (v2sf)  }
0x186: {  	[tilespmem:s22], [sflag:$0x3] =	stream.linear.gather [hbm4b:s19+s1], $0x80, $0x38;
	[tilespmem:$0x10400] =	vst v63  }
0x187: {  	s23 =	sadd.s32 s4, s20;
	s26 =	sand.u32 $0x1FFFFFF0, s21;
	s28 =	spop (v2sf)  }
0x188: {  	[tilespmem:s29], [sflag:$0x4] =	stream.linear.gather [hbm4b:s23+s1], $0x80, $0x38;
	[tilespmem:$0x10400] =	vst v63  }
0x189: {  	s11 =	sadd.s32 s3, s26;
	s12 =	sand.u32 $0x1FFFFFF0, s28;
	s16 =	spop (v2sf)  }
0x18a: {  	[tilespmem:s17], [sflag:$0x5] =	stream.linear.gather [hbm4b:s11+s1], $0x80, $0x38;
	[tilespmem:$0x10400] =	vst v63  }
0x18b: {  	s21 =	rddreg [dreg:$0x5];
	s18 =	sadd.s32 s4, s12;
	s19 =	sand.u32 $0x1FFFFFF0, s16  }
0x18c: {  	(v2sf) =	vpush v1, $0xD;
	[tilespmem:s21], [sflag:$0x6] =	stream.linear.gather [hbm4b:s18+s1], $0x80, $0x38;
	[tilespmem:$0x10400] =	vst v63  }
.Ltmp1:
0x18d: {  	(v2sf) =	vpush v63, $0xD;
	s22 =	sadd.s32 s3, s19;
	s20 =	spop (v2sf);
	(pc) =	sbr.rel @p0 .LBB2_4-.Ltmp1, $4  }
0x18e: {  	(v2sf) =	vpush v1, $0xE;
	s29 =	rddreg [dreg:$0x7];
	s23 =	sand.u32 $0x1FFFFFF0, s20;
	s26 =	spop (v2sf)  }
0x18f: {  	(v2sf) =	vpush v63, $0xE;
	[tilespmem:s9], [sflag:$0x7] =	stream.linear.gather [hbm4b:s22+s1], $0x80, $0x38;
	[tilespmem:$0x10400] =	vst v63  }
0x190: {  	(v2sf) =	vpush v1, $0xF;
	s28 =	sadd.s32 s4, s23;
	s8 =	sand.u32 $0x1FFFFFF0, s26;
	s6 =	spop (v2sf)  }
0x191: {  	(v2sf) =	vpush v63, $0xF;
	[tilespmem:s29], [sflag:$0x8] =	stream.linear.gather [hbm4b:s28+s1], $0x80, $0x38;
	[tilespmem:$0x10400] =	vst v63  }
0x192: {  	_ =	sdelay $0x4  }
0x193: {  	s0 =	sadd.s32 s3, s8;
	s7 =	sand.u32 $0x1FFFFFF0, s6  }
0x194: {  	[tilespmem:s5], [sflag:$0x1] =	stream.linear.gather [hbm4b:s0+s1], $0x80, $0x38;
	[tilespmem:$0x10400] =	vst v63  }
0x195: {  	s0 =	sadd.s32 s4, s7  }
0x196: {  	[tilespmem:s13], [sflag:$0x2] =	stream.linear.gather [hbm4b:s0+s1], $0x80, $0x38;
	[tilespmem:$0x10400] =	vst v63  }
0x197: {  	s8 =	spop (v2sf)  }
0x198: {  	s0 =	sand.u32 $0x1FFFFFF0, s8  }
0x199: {  	s9 =	spop (v2sf);
	s0 =	sadd.s32 s3, s0  }
0x19a: {  	[tilespmem:s14], [sflag:$0x3] =	stream.linear.gather [hbm4b:s0+s1], $0x80, $0x38;
	[tilespmem:$0x10400] =	vst v63  }
0x19b: {  	s0 =	sand.u32 $0x1FFFFFF0, s9  }
0x19c: {  	s11 =	spop (v2sf);
	s0 =	sadd.s32 s4, s0  }
0x19d: {  	[tilespmem:s10], [sflag:$0x4] =	stream.linear.gather [hbm4b:s0+s1], $0x80, $0x38;
	[tilespmem:$0x10400] =	vst v63  }
0x19e: {  	s0 =	sand.u32 $0x1FFFFFF0, s11  }
0x19f: {  	s12 =	spop (v2sf);
	s0 =	sadd.s32 s3, s0  }
0x1a0: {  	[tilespmem:s2], [sflag:$0x5] =	stream.linear.gather [hbm4b:s0+s1], $0x80, $0x38;
	[tilespmem:$0x10400] =	vst v63  }
0x1a1: {  	s0 =	sand.u32 $0x1FFFFFF0, s12  }
0x1a2: {  	s13 =	spop (v2sf);
	s0 =	sadd.s32 s4, s0  }
0x1a3: {  	[tilespmem:s15], [sflag:$0x6] =	stream.linear.gather [hbm4b:s0+s1], $0x80, $0x38;
	[tilespmem:$0x10400] =	vst v63  }
0x1a4: {  	s0 =	sand.u32 $0x1FFFFFF0, s13  }
0x1a5: {  	s14 =	sadd.s32 $0xB80, s24;
	s15 =	spop (v2sf);
	s0 =	sadd.s32 s3, s0  }
0x1a6: {  	[tilespmem:s14], [sflag:$0x7] =	stream.linear.gather [hbm4b:s0+s1], $0x80, $0x38;
	[tilespmem:$0x10400] =	vst v63  }
0x1a7: {  	s0 =	sand.u32 $0x1FFFFFF0, s15  }
0x1a8: {  	s16 =	sadd.s32 $0x8B80, s24;
	s17 =	simm.s32 $0x1;
	s0 =	sadd.s32 s4, s0  }
0x1a9: {  	[tilespmem:s16], [sflag:$0x8] =	stream.linear.gather [hbm4b:s0+s1], $0x80, $0x38;
	[tilespmem:$0x10400] =	vst v63  }
0x1aa: {  	_ =	swait.ge [sflag:s17], $0x2000  }
0x1ab: {  	[sflag:s17] =	ssyncset.done $0x0  }
0x1ac: {  	s18 =	simm.s32 $0x2;
	[sflag:s17] =	ssyncadd.s32 $0xFFFFE000  }
0x1ad: {  	_ =	swait.ge [sflag:s18], $0x2000  }
0x1ae: {  	[sflag:s18] =	ssyncset.done $0x0  }
0x1af: {  	s19 =	simm.s32 $0x3;
	[sflag:s18] =	ssyncadd.s32 $0xFFFFE000  }
0x1b0: {  	_ =	swait.ge [sflag:s19], $0x2000  }
0x1b1: {  	[sflag:s19] =	ssyncset.done $0x0  }
0x1b2: {  	s20 =	simm.s32 $0x4;
	[sflag:s19] =	ssyncadd.s32 $0xFFFFE000  }
0x1b3: {  	_ =	swait.ge [sflag:s20], $0x2000  }
0x1b4: {  	[sflag:s20] =	ssyncset.done $0x0  }
0x1b5: {  	s21 =	simm.s32 $0x5;
	[sflag:s20] =	ssyncadd.s32 $0xFFFFE000  }
0x1b6: {  	_ =	swait.ge [sflag:s21], $0x2000  }
0x1b7: {  	[sflag:s21] =	ssyncset.done $0x0  }
0x1b8: {  	s22 =	simm.s32 $0x6;
	[sflag:s21] =	ssyncadd.s32 $0xFFFFE000  }
0x1b9: {  	_ =	swait.ge [sflag:s22], $0x2000  }
0x1ba: {  	[sflag:s22] =	ssyncset.done $0x0  }
0x1bb: {  	s23 =	simm.s32 $0x7;
	[sflag:s22] =	ssyncadd.s32 $0xFFFFE000  }
0x1bc: {  	_ =	swait.ge [sflag:s23], $0x2000  }
0x1bd: {  	[sflag:s23] =	ssyncset.done $0x0  }
0x1be: {  	s24 =	simm.s32 $0x8;
	[sflag:s23] =	ssyncadd.s32 $0xFFFFE000  }
0x1bf: {  	_ =	swait.ge [sflag:s24], $0x2000  }
0x1c0: {  	s26 =	simm.s32 $0x400;
	[sflag:s24] =	ssyncset.done $0x0  }
0x1c1: {  	s5 =	simm.s32 $0x9;
	s25 =	rddreg [dreg:$0x1a];
	[sflag:s24] =	ssyncadd.s32 $0xFFFFE000  }
0x1c2: {  	[hbm4b:s25+s1] =	stream.linear.scatter [tilespmem:s26], [sflag:$0x9], $0x8000, $0x38;
	[tilespmem:$0x10400] =	vst v63  }
0x1c3: {  	_ =	swait.ge [sflag:s5], $0x8000  }
0x1c4: {  	[sflag:s5] =	ssyncset.done $0x0  }
0x1c5: {  	s29 =	simm.s32 $0x8400;
	s28 =	rddreg [dreg:$0x1b];
	[sflag:s5] =	ssyncadd.s32 $0xFFFF8000  }
0x1c6: {  	[hbm4b:s28+s1] =	stream.linear.scatter [tilespmem:s29], [sflag:$0x9], $0x8000, $0x38;
	[tilespmem:$0x10400] =	vst v63  }
0x1c7: {  	_ =	swait.ge [sflag:s5], $0x8000  }
0x1c8: {  	s30 =	rddreg [dreg:$0x1d]  }
0x1c9: {  	s31 =	rddreg [dreg:$0x1c];
	s2 =	sadd.s32 $0x1, s30  }
0x1ca: {  	p0 =	sne.s32 s2, s31  }
.Ltmp2:
0x1cb: {  	_ = 	snop;
	(pc) =	sbr.rel @p0 .LBB2_1-.Ltmp2, $3  }
0x1cc: {  	_ =	sdelay $0x1  }
0x1cd: {  	[sflag:s5] =	ssyncset.done $0x0  }
0x1ce: {  	[sflag:s5] =	ssyncadd.s32 $0xFFFF8000  }
0x1cf: {  	_ =	sfence.sel $0x180000  }
0x1d0: {  	[bflag:$0x0] =	sbarrier.arrive $0xFFFF  }
0x1d1: {  	_ =	strace $0x90000047  }
0x1d2: {  	s0 =	stileid.u32;
	[bflag:$0x2] =	sbarrier.arrive $0xFFFF  }
0x1d3: {  	p0 =	sne.s32 s0, $0x0;
	s0 =	rddreg [dreg:$0x3]  }
0x1d4: {  	s0 =	sadd.s32 @!p0 $0x100000, s0  }
0x1d5: {  	[sflag:s0] =	ssyncadd.tile.s32 @!p0 $0x1;
	_ =	shalt  }
.Lfunc_end2:
_tile_overlayer_lowered:
.L_overlay_start_2:
0x1d6: {  	(tag) =	ssettag $0x2  }
0x1d7: {  	s0 =	rddreg [dreg:$0x0];
	s2 =	stileid.u32  }
0x1d8: {  	s1 =	rddreg [dreg:$0x1];
	p0 =	sne.s32 s2, $0x0  }
0x1d9: {  	s3 =	rddreg [dreg:$0x2];
	[bflag:$0x3] =	sbarrier.arrive $0xFFFF;
	s2 =	simm.s32 @!p0 $0x1C09  }
0x1da: {  	[timem:s3], [sflag:s2] =	dma.local @!p0 [hbm:s0], s1  }
0x1db: {  	s0 =	simm.s32 @!p0 $0x9  }
0x1dc: {  	_ =	swait.ge @!p0 [sflag:s0], s1  }
0x1dd: {  	s1 =	ssub.s32 @!p0 $0x0, s1;
	[sflag:s0] =	ssyncset.done @!p0 $0x0  }
0x1de: {  	[sflag:s0] =	ssyncadd.s32 @!p0 s1  }
0x1df: {  	[bflag:$0x3] =	sbarrier.arrive $0xFFFF  }
0x1e0: {  	_ =	shalt  }

</sc_bundles>
